<compile_context>
chip_gen: v7x
topology: tpu7x:2x2x1
jax: 0.10.2.dev20260603
libtpu: 0.0.44.dev20260713+nightly
codegen_flags: <defaults>
</compile_context>

<pallas_src>
import dataclasses
import functools

import jax
import jax.numpy as jnp
from jax import lax
from jax.experimental import pallas as pl
from jax.experimental.pallas import tpu as pltpu
from jax.experimental.pallas import tpu_sc as plsc

NC = 2
NS = 16
L = 16
NW = NC * NS

BATCH = 16384
BPW = BATCH // NW
CHUNK = 128
NCHUNK = BPW // CHUNK

N_DATA_PAD = 1024

_mesh = plsc.VectorSubcoreMesh(
    core_axis_name="c", subcore_axis_name="s", num_cores=NC, num_subcores=NS
)

_cp = pltpu.CompilerParams()
if "needs_layout_passes" in pltpu.CompilerParams.__dataclass_fields__:
    _cp = dataclasses.replace(_cp, needs_layout_passes=False)


@functools.partial(
    pl.kernel,
    out_type=jax.ShapeDtypeStruct((BATCH,), jnp.float32),
    mesh=_mesh,
    scratch_types=[
        pltpu.VMEM((NCHUNK, CHUNK), jnp.int32),
        pltpu.VMEM((NCHUNK, CHUNK), jnp.int32),
        pltpu.VMEM((BPW,), jnp.float32),
        pltpu.VMEM((N_DATA_PAD,), jnp.float32),
        pltpu.VMEM((BPW,), jnp.float32),
        pltpu.SemaphoreType.DMA,
    ],
    compiler_params=_cp,
)
def _item_data_sum(items_hbm, values_hbm, ib_hbm, db_hbm, part_hbm,
                   iidx, vidx, ival, dtab, part_v, sem):
    wid = lax.axis_index("s") * NC + lax.axis_index("c")
    base = wid * BPW
    row = wid * NCHUNK

    c_i = pltpu.async_copy(items_hbm.at[pl.ds(row, NCHUNK)], iidx, sem)
    c_v = pltpu.async_copy(values_hbm.at[pl.ds(row, NCHUNK)], vidx, sem)
    c_d = pltpu.async_copy(db_hbm, dtab, sem)
    c_i.wait()
    c_v.wait()
    c_d.wait()

    copies = [
        pltpu.async_copy(ib_hbm.at[iidx.at[j]],
                         ival.at[pl.ds(j * CHUNK, CHUNK)], sem)
        for j in range(NCHUNK)
    ]
    for c in copies:
        c.wait()

    for j in range(NCHUNK):
        @pl.loop(0, CHUNK, step=L)
        def _(c0, j=j):
            s = pl.ds(j * CHUNK + c0, L)
            d = plsc.load_gather(dtab, [vidx[j, pl.ds(c0, L)]])
            part_v[s] = ival[s] + d

    pltpu.sync_copy(part_v, part_hbm.at[pl.ds(base, BPW)])


@functools.partial(
    pl.kernel,
    out_type=jax.ShapeDtypeStruct((BATCH,), jnp.float32),
    mesh=_mesh,
    scratch_types=[
        pltpu.VMEM((NCHUNK, CHUNK), jnp.int32),
        pltpu.VMEM((BPW,), jnp.float32),
        pltpu.VMEM((BPW,), jnp.float32),
        pltpu.SemaphoreType.DMA,
    ],
)
def _add_user(users_hbm, ub_hbm, part_hbm, out_hbm, uidx, uval, part_v, sem):
    wid = lax.axis_index("s") * NC + lax.axis_index("c")
    base = wid * BPW
    row = wid * NCHUNK

    c_u = pltpu.async_copy(users_hbm.at[pl.ds(row, NCHUNK)], uidx, sem)
    c_p = pltpu.async_copy(part_hbm.at[pl.ds(base, BPW)], part_v, sem)
    c_u.wait()
    c_p.wait()

    copies = [
        pltpu.async_copy(ub_hbm.at[uidx.at[j]],
                         uval.at[pl.ds(j * CHUNK, CHUNK)], sem)
        for j in range(NCHUNK)
    ]
    for c in copies:
        c.wait()

    @pl.loop(0, BPW, step=L)
    def _(i):
        s = pl.ds(i, L)
        part_v[s] = part_v[s] + uval[s]

    pltpu.sync_copy(part_v, out_hbm.at[pl.ds(base, BPW)])


def _flatten_table(t):
    n = t.shape[0]
    n_pad = -n % 1024
    if n_pad:
        t = jnp.pad(t, ((0, n_pad), (0, 0)))
    return t.reshape(-1)


def kernel(users, items, values, user_bias, item_bias, data_bias):
    users = jnp.asarray(users, jnp.int32).reshape(NW * NCHUNK, CHUNK)
    items = jnp.asarray(items, jnp.int32).reshape(NW * NCHUNK, CHUNK)
    values = jnp.asarray(values, jnp.int32).reshape(NW * NCHUNK, CHUNK)
    partial = _item_data_sum(
        items, values, _flatten_table(item_bias), _flatten_table(data_bias)
    )
    return _add_user(users, _flatten_table(user_bias), partial)

# --- scband reference (transcript-rebuilt; emitter-appended) ---
"""Pipeline reference for scband-three-linear-7224134992364 (READ-ONLY COPY).

The authoritative reference and input builder live on the scoring server;
editing this copy changes nothing except your own understanding.
"""

import jax, jax.numpy as jnp
import numpy as np

N_USER = 1000000
N_ITEM = 100000
N_DATA = 1000
BATCH = 16384

def setup_inputs(seed: int = 0) -> dict:
    key = jax.random.key(seed)
    k1, k2, k3, k4, k5, k6 = jax.random.split(key, 6)
    users = jax.random.randint(k1, (BATCH,), 0, N_USER, dtype=jnp.int64) if jax.config.jax_enable_x64 else jax.random.randint(k1, (BATCH,), 0, N_USER, dtype=jnp.int32)
    items = jax.random.randint(k2, (BATCH,), 0, N_ITEM, dtype=jnp.int32)
    values = jax.random.randint(k3, (BATCH,), 0, N_DATA, dtype=jnp.int32)
    # kaiming_normal_ with mode='fan_out' on an (N,1) weight -> fan_out=1 -> std=sqrt(2)
    user_bias = jax.random.normal(k4, (N_USER, 1), dtype=jnp.float32) * jnp.sqrt(2.0)
    item_bias = jax.random.normal(k5, (N_ITEM, 1), dtype=jnp.float32) * jnp.sqrt(2.0)
    data_bias = jax.random.normal(k6, (N_DATA, 1), dtype=jnp.float32) * jnp.sqrt(2.0) * 0.001
    return {"users": users, "items": items, "values": values,
            "user_bias": user_bias, "item_bias": item_bias, "data_bias": data_bias}

def reference(users, items, values, user_bias, item_bias, data_bias):
    u_bias = jnp.take(user_bias, users, axis=0)   # [B, 1]
    i_bias = jnp.take(item_bias, items, axis=0)   # [B, 1]
    d_bias = jnp.take(data_bias, values, axis=0)  # [B, 1]
    preds = u_bias + i_bias + d_bias
    return jnp.squeeze(preds)

if __name__ == "__main__":
    import jax
    _d = setup_inputs()
    print(jax.jit(kernel)(*tuple(_d.values())))

</pallas_src>

<mosaic_0001>
#map = affine_map<(d0, d1) -> (0, 0)>
#map1 = affine_map<(d0, d1) -> (0)>
module attributes {stable_mosaic.version = 14 : i64} {
  func.func @_item_data_sum(%arg0: i32, %arg1: i32, %arg2: memref<128x128xi32, #tpu.memory_space<hbm>>, %arg3: memref<128x128xi32, #tpu.memory_space<hbm>>, %arg4: memref<100352xf32, #tpu.memory_space<hbm>>, %arg5: memref<1024xf32, #tpu.memory_space<hbm>>, %arg6: memref<16384xf32, #tpu.memory_space<hbm>>, %arg7: memref<4x128xi32, #tpu.memory_space<vmem>>, %arg8: memref<4x128xi32, #tpu.memory_space<vmem>>, %arg9: memref<512xf32, #tpu.memory_space<vmem>>, %arg10: memref<1024xf32, #tpu.memory_space<vmem>>, %arg11: memref<512xf32, #tpu.memory_space<vmem>>, %arg12: memref<!tpu.dma_semaphore, #tpu.memory_space<semaphore_mem>>) attributes {dimension_semantics = [#tpu.dimension_semantics<core_parallel>, #tpu.dimension_semantics<subcore_parallel>], iteration_bounds = array<i64: 2, 16>, scalar_prefetch = 0 : i64, scratch_operands = 6 : i64, tpu.core_type = #tpu.core_type<sc_vector_subcore>, window_params = [{transform_indices = #map}, {transform_indices = #map}, {transform_indices = #map1}, {transform_indices = #map1}, {transform_indices = #map1}]} {
    %mul3A = arith.constant 2 : i32
    %mul3A_0 = arith.muli %arg1, %mul3A : i32
    %add3A = arith.addi %mul3A_0, %arg0 : i32
    %mul3A_1 = arith.constant 512 : i32
    %mul3A_2 = arith.muli %add3A, %mul3A_1 : i32
    %mul3A_3 = arith.constant 4 : i32
    %mul3A_4 = arith.muli %add3A, %mul3A_3 : i32
    %dma_start3A = arith.constant 0 : i32
    %dma_start3A_5 = tpu.memref_slice %arg2[%mul3A_4, %dma_start3A] : memref<128x128xi32, #tpu.memory_space<hbm>> -> memref<4x128xi32, #tpu.memory_space<hbm>>
    %dma_start3A_6 = arith.constant 0 : i32
    %dma_start3A_7 = tpu.memref_slice %arg2[%mul3A_4, %dma_start3A_6] : memref<128x128xi32, #tpu.memory_space<hbm>> -> memref<4x128xi32, #tpu.memory_space<hbm>>
    tpu.enqueue_dma source(%dma_start3A_7 : memref<4x128xi32, #tpu.memory_space<hbm>>) target(%arg7 : memref<4x128xi32, #tpu.memory_space<vmem>>) target_semaphore(%arg12 : memref<!tpu.dma_semaphore, #tpu.memory_space<semaphore_mem>>)
    %dma_start3A_8 = arith.constant 0 : i32
    %dma_start3A_9 = tpu.memref_slice %arg3[%mul3A_4, %dma_start3A_8] : memref<128x128xi32, #tpu.memory_space<hbm>> -> memref<4x128xi32, #tpu.memory_space<hbm>>
    %dma_start3A_10 = arith.constant 0 : i32
    %dma_start3A_11 = tpu.memref_slice %arg3[%mul3A_4, %dma_start3A_10] : memref<128x128xi32, #tpu.memory_space<hbm>> -> memref<4x128xi32, #tpu.memory_space<hbm>>
    tpu.enqueue_dma source(%dma_start3A_11 : memref<4x128xi32, #tpu.memory_space<hbm>>) target(%arg8 : memref<4x128xi32, #tpu.memory_space<vmem>>) target_semaphore(%arg12 : memref<!tpu.dma_semaphore, #tpu.memory_space<semaphore_mem>>)
    tpu.enqueue_dma source(%arg5 : memref<1024xf32, #tpu.memory_space<hbm>>) target(%arg10 : memref<1024xf32, #tpu.memory_space<vmem>>) target_semaphore(%arg12 : memref<!tpu.dma_semaphore, #tpu.memory_space<semaphore_mem>>)
    %dma_wait3A = arith.constant 0 : i32
    %dma_wait3A_12 = tpu.memref_slice %arg2[%mul3A_4, %dma_wait3A] : memref<128x128xi32, #tpu.memory_space<hbm>> -> memref<4x128xi32, #tpu.memory_space<hbm>>
    %dma_wait3A_13 = arith.constant 0 : i32
    %dma_wait3A_14 = tpu.memref_slice %arg2[%mul3A_4, %dma_wait3A_13] : memref<128x128xi32, #tpu.memory_space<hbm>> -> memref<4x128xi32, #tpu.memory_space<hbm>>
    tpu.wait_dma2 semaphore(%arg12 : memref<!tpu.dma_semaphore, #tpu.memory_space<semaphore_mem>>) src(%dma_wait3A_14 : memref<4x128xi32, #tpu.memory_space<hbm>>) dst(%arg7 : memref<4x128xi32, #tpu.memory_space<vmem>>)
    %dma_wait3A_15 = arith.constant 0 : i32
    %dma_wait3A_16 = tpu.memref_slice %arg3[%mul3A_4, %dma_wait3A_15] : memref<128x128xi32, #tpu.memory_space<hbm>> -> memref<4x128xi32, #tpu.memory_space<hbm>>
    %dma_wait3A_17 = arith.constant 0 : i32
    %dma_wait3A_18 = tpu.memref_slice %arg3[%mul3A_4, %dma_wait3A_17] : memref<128x128xi32, #tpu.memory_space<hbm>> -> memref<4x128xi32, #tpu.memory_space<hbm>>
    tpu.wait_dma2 semaphore(%arg12 : memref<!tpu.dma_semaphore, #tpu.memory_space<semaphore_mem>>) src(%dma_wait3A_18 : memref<4x128xi32, #tpu.memory_space<hbm>>) dst(%arg8 : memref<4x128xi32, #tpu.memory_space<vmem>>)
    tpu.wait_dma2 semaphore(%arg12 : memref<!tpu.dma_semaphore, #tpu.memory_space<semaphore_mem>>) src(%arg5 : memref<1024xf32, #tpu.memory_space<hbm>>) dst(%arg10 : memref<1024xf32, #tpu.memory_space<vmem>>)
    %dma_start3A_19 = arith.constant 0 : i32
    %dma_start3A_20 = arith.constant 0 : i32
    %dma_start3A_21 = tpu.memref_slice %arg9[%dma_start3A_20] : memref<512xf32, #tpu.memory_space<vmem>> -> memref<128xf32, #tpu.memory_space<vmem>>
    %dma_start3A_22 = arith.constant 0 : i32
    %dma_start3A_23 = tpu.memref_slice %arg7[%dma_start3A_19, %dma_start3A_22] : memref<4x128xi32, #tpu.memory_space<vmem>> -> memref<1x128xi32, #tpu.memory_space<vmem>>
    %dma_start3A_24 = tpu.memref_squeeze %dma_start3A_23 : memref<1x128xi32, #tpu.memory_space<vmem>> -> memref<128xi32, #tpu.memory_space<vmem>>
    %dma_start3A_25 = arith.constant 0 : i32
    %dma_start3A_26 = tpu.memref_slice %arg4[%dma_start3A_25] : memref<100352xf32, #tpu.memory_space<hbm>> -> memref<100352xf32, #tpu.memory_space<hbm>>
    tpu.enqueue_indirect_dma source(%dma_start3A_26 : memref<100352xf32, #tpu.memory_space<hbm>>) target(%dma_start3A_21 : memref<128xf32, #tpu.memory_space<vmem>>) offsets(%dma_start3A_24 : memref<128xi32, #tpu.memory_space<vmem>>) semaphore(%arg12 : memref<!tpu.dma_semaphore, #tpu.memory_space<semaphore_mem>>)
    %dma_start3A_27 = arith.constant 1 : i32
    %dma_start3A_28 = arith.constant 128 : i32
    %dma_start3A_29 = tpu.memref_slice %arg9[%dma_start3A_28] : memref<512xf32, #tpu.memory_space<vmem>> -> memref<128xf32, #tpu.memory_space<vmem>>
    %dma_start3A_30 = arith.constant 0 : i32
    %dma_start3A_31 = tpu.memref_slice %arg7[%dma_start3A_27, %dma_start3A_30] : memref<4x128xi32, #tpu.memory_space<vmem>> -> memref<1x128xi32, #tpu.memory_space<vmem>>
    %dma_start3A_32 = tpu.memref_squeeze %dma_start3A_31 : memref<1x128xi32, #tpu.memory_space<vmem>> -> memref<128xi32, #tpu.memory_space<vmem>>
    %dma_start3A_33 = arith.constant 0 : i32
    %dma_start3A_34 = tpu.memref_slice %arg4[%dma_start3A_33] : memref<100352xf32, #tpu.memory_space<hbm>> -> memref<100352xf32, #tpu.memory_space<hbm>>
    tpu.enqueue_indirect_dma source(%dma_start3A_34 : memref<100352xf32, #tpu.memory_space<hbm>>) target(%dma_start3A_29 : memref<128xf32, #tpu.memory_space<vmem>>) offsets(%dma_start3A_32 : memref<128xi32, #tpu.memory_space<vmem>>) semaphore(%arg12 : memref<!tpu.dma_semaphore, #tpu.memory_space<semaphore_mem>>)
    %dma_start3A_35 = arith.constant 2 : i32
    %dma_start3A_36 = arith.constant 256 : i32
    %dma_start3A_37 = tpu.memref_slice %arg9[%dma_start3A_36] : memref<512xf32, #tpu.memory_space<vmem>> -> memref<128xf32, #tpu.memory_space<vmem>>
    %dma_start3A_38 = arith.constant 0 : i32
    %dma_start3A_39 = tpu.memref_slice %arg7[%dma_start3A_35, %dma_start3A_38] : memref<4x128xi32, #tpu.memory_space<vmem>> -> memref<1x128xi32, #tpu.memory_space<vmem>>
    %dma_start3A_40 = tpu.memref_squeeze %dma_start3A_39 : memref<1x128xi32, #tpu.memory_space<vmem>> -> memref<128xi32, #tpu.memory_space<vmem>>
    %dma_start3A_41 = arith.constant 0 : i32
    %dma_start3A_42 = tpu.memref_slice %arg4[%dma_start3A_41] : memref<100352xf32, #tpu.memory_space<hbm>> -> memref<100352xf32, #tpu.memory_space<hbm>>
    tpu.enqueue_indirect_dma source(%dma_start3A_42 : memref<100352xf32, #tpu.memory_space<hbm>>) target(%dma_start3A_37 : memref<128xf32, #tpu.memory_space<vmem>>) offsets(%dma_start3A_40 : memref<128xi32, #tpu.memory_space<vmem>>) semaphore(%arg12 : memref<!tpu.dma_semaphore, #tpu.memory_space<semaphore_mem>>)
    %dma_start3A_43 = arith.constant 3 : i32
    %dma_start3A_44 = arith.constant 384 : i32
    %dma_start3A_45 = tpu.memref_slice %arg9[%dma_start3A_44] : memref<512xf32, #tpu.memory_space<vmem>> -> memref<128xf32, #tpu.memory_space<vmem>>
    %dma_start3A_46 = arith.constant 0 : i32
    %dma_start3A_47 = tpu.memref_slice %arg7[%dma_start3A_43, %dma_start3A_46] : memref<4x128xi32, #tpu.memory_space<vmem>> -> memref<1x128xi32, #tpu.memory_space<vmem>>
    %dma_start3A_48 = tpu.memref_squeeze %dma_start3A_47 : memref<1x128xi32, #tpu.memory_space<vmem>> -> memref<128xi32, #tpu.memory_space<vmem>>
    %dma_start3A_49 = arith.constant 0 : i32
    %dma_start3A_50 = tpu.memref_slice %arg4[%dma_start3A_49] : memref<100352xf32, #tpu.memory_space<hbm>> -> memref<100352xf32, #tpu.memory_space<hbm>>
    tpu.enqueue_indirect_dma source(%dma_start3A_50 : memref<100352xf32, #tpu.memory_space<hbm>>) target(%dma_start3A_45 : memref<128xf32, #tpu.memory_space<vmem>>) offsets(%dma_start3A_48 : memref<128xi32, #tpu.memory_space<vmem>>) semaphore(%arg12 : memref<!tpu.dma_semaphore, #tpu.memory_space<semaphore_mem>>)
    %dma_wait3A_51 = arith.constant 0 : i32
    %dma_wait3A_52 = arith.constant 0 : i32
    %dma_wait3A_53 = tpu.memref_slice %arg9[%dma_wait3A_52] : memref<512xf32, #tpu.memory_space<vmem>> -> memref<128xf32, #tpu.memory_space<vmem>>
    %dma_wait3A_54 = arith.constant 0 : i32
    %dma_wait3A_55 = tpu.memref_slice %arg7[%dma_wait3A_51, %dma_wait3A_54] : memref<4x128xi32, #tpu.memory_space<vmem>> -> memref<1x128xi32, #tpu.memory_space<vmem>>
    %dma_wait3A_56 = tpu.memref_squeeze %dma_wait3A_55 : memref<1x128xi32, #tpu.memory_space<vmem>> -> memref<128xi32, #tpu.memory_space<vmem>>
    %dma_wait3A_57 = arith.constant 0 : i32
    %dma_wait3A_58 = tpu.memref_slice %arg4[%dma_wait3A_57] : memref<100352xf32, #tpu.memory_space<hbm>> -> memref<100352xf32, #tpu.memory_space<hbm>>
    tpu.wait_indirect_dma semaphore(%arg12 : memref<!tpu.dma_semaphore, #tpu.memory_space<semaphore_mem>>) src(%dma_wait3A_58 : memref<100352xf32, #tpu.memory_space<hbm>>) dst(%dma_wait3A_53 : memref<128xf32, #tpu.memory_space<vmem>>)
    %dma_wait3A_59 = arith.constant 1 : i32
    %dma_wait3A_60 = arith.constant 128 : i32
    %dma_wait3A_61 = tpu.memref_slice %arg9[%dma_wait3A_60] : memref<512xf32, #tpu.memory_space<vmem>> -> memref<128xf32, #tpu.memory_space<vmem>>
    %dma_wait3A_62 = arith.constant 0 : i32
    %dma_wait3A_63 = tpu.memref_slice %arg7[%dma_wait3A_59, %dma_wait3A_62] : memref<4x128xi32, #tpu.memory_space<vmem>> -> memref<1x128xi32, #tpu.memory_space<vmem>>
    %dma_wait3A_64 = tpu.memref_squeeze %dma_wait3A_63 : memref<1x128xi32, #tpu.memory_space<vmem>> -> memref<128xi32, #tpu.memory_space<vmem>>
    %dma_wait3A_65 = arith.constant 0 : i32
    %dma_wait3A_66 = tpu.memref_slice %arg4[%dma_wait3A_65] : memref<100352xf32, #tpu.memory_space<hbm>> -> memref<100352xf32, #tpu.memory_space<hbm>>
    tpu.wait_indirect_dma semaphore(%arg12 : memref<!tpu.dma_semaphore, #tpu.memory_space<semaphore_mem>>) src(%dma_wait3A_66 : memref<100352xf32, #tpu.memory_space<hbm>>) dst(%dma_wait3A_61 : memref<128xf32, #tpu.memory_space<vmem>>)
    %dma_wait3A_67 = arith.constant 2 : i32
    %dma_wait3A_68 = arith.constant 256 : i32
    %dma_wait3A_69 = tpu.memref_slice %arg9[%dma_wait3A_68] : memref<512xf32, #tpu.memory_space<vmem>> -> memref<128xf32, #tpu.memory_space<vmem>>
    %dma_wait3A_70 = arith.constant 0 : i32
    %dma_wait3A_71 = tpu.memref_slice %arg7[%dma_wait3A_67, %dma_wait3A_70] : memref<4x128xi32, #tpu.memory_space<vmem>> -> memref<1x128xi32, #tpu.memory_space<vmem>>
    %dma_wait3A_72 = tpu.memref_squeeze %dma_wait3A_71 : memref<1x128xi32, #tpu.memory_space<vmem>> -> memref<128xi32, #tpu.memory_space<vmem>>
    %dma_wait3A_73 = arith.constant 0 : i32
    %dma_wait3A_74 = tpu.memref_slice %arg4[%dma_wait3A_73] : memref<100352xf32, #tpu.memory_space<hbm>> -> memref<100352xf32, #tpu.memory_space<hbm>>
    tpu.wait_indirect_dma semaphore(%arg12 : memref<!tpu.dma_semaphore, #tpu.memory_space<semaphore_mem>>) src(%dma_wait3A_74 : memref<100352xf32, #tpu.memory_space<hbm>>) dst(%dma_wait3A_69 : memref<128xf32, #tpu.memory_space<vmem>>)
    %dma_wait3A_75 = arith.constant 3 : i32
    %dma_wait3A_76 = arith.constant 384 : i32
    %dma_wait3A_77 = tpu.memref_slice %arg9[%dma_wait3A_76] : memref<512xf32, #tpu.memory_space<vmem>> -> memref<128xf32, #tpu.memory_space<vmem>>
    %dma_wait3A_78 = arith.constant 0 : i32
    %dma_wait3A_79 = tpu.memref_slice %arg7[%dma_wait3A_75, %dma_wait3A_78] : memref<4x128xi32, #tpu.memory_space<vmem>> -> memref<1x128xi32, #tpu.memory_space<vmem>>
    %dma_wait3A_80 = tpu.memref_squeeze %dma_wait3A_79 : memref<1x128xi32, #tpu.memory_space<vmem>> -> memref<128xi32, #tpu.memory_space<vmem>>
    %dma_wait3A_81 = arith.constant 0 : i32
    %dma_wait3A_82 = tpu.memref_slice %arg4[%dma_wait3A_81] : memref<100352xf32, #tpu.memory_space<hbm>> -> memref<100352xf32, #tpu.memory_space<hbm>>
    tpu.wait_indirect_dma semaphore(%arg12 : memref<!tpu.dma_semaphore, #tpu.memory_space<semaphore_mem>>) src(%dma_wait3A_82 : memref<100352xf32, #tpu.memory_space<hbm>>) dst(%dma_wait3A_77 : memref<128xf32, #tpu.memory_space<vmem>>)
    %scan3A = arith.constant 0 : i32
    %scan3A_83 = arith.constant 8 : i32
    %scan3A_84 = arith.addi %scan3A, %scan3A_83 : i32
    %scan3A_85 = arith.constant 1 : i32
    scf.for %scan3A_102 = %scan3A to %scan3A_84 step %scan3A_85  : i32 {
      %mul3A_103 = arith.constant 16 : i32
      %mul3A_104 = arith.muli %scan3A_102, %mul3A_103 : i32
      %add3A_105 = arith.constant 0 : i32
      %add3A_106 = arith.addi %add3A_105, %mul3A_104 : i32
      %add3A_107 = arith.constant 0 : i32
      %add3A_108 = arith.addi %add3A_107, %add3A_106 : i32
      %get3A = arith.constant 0 : i32
      %get3A_109 = arith.index_cast %get3A : i32 to index
      %get3A_110 = arith.index_cast %add3A_106 : i32 to index
      %get3A_111 = tpu.vector_load %arg8[%get3A_109, %get3A_110] {strides = array<i32>} : memref<4x128xi32, #tpu.memory_space<vmem>>, vector<16xi32>,
      %gather3A = tpu.vector_load_idx %arg10[%get3A_111] : memref<1024xf32, #tpu.memory_space<vmem>>[vector<16xi32>], vector<16xf32>,
      %get3A_112 = arith.index_cast %add3A_108 : i32 to index
      %get3A_113 = tpu.vector_load %arg9[%get3A_112] {strides = array<i32>} : memref<512xf32, #tpu.memory_space<vmem>>, vector<16xf32>,
      %add3A_114 = arith.addf %get3A_113, %gather3A : vector<16xf32>
      %swap3A = arith.index_cast %add3A_108 : i32 to index
      %swap3A_115 = tpu.vector_load %arg11[%swap3A] {strides = array<i32>} : memref<512xf32, #tpu.memory_space<vmem>>, vector<16xf32>,
      tpu.vector_store %arg11[%swap3A], %add3A_114 {strides = array<i32>} : memref<512xf32, #tpu.memory_space<vmem>>, vector<16xf32>,
    }
    %scan3A_86 = arith.constant 8 : i32
    %scan3A_87 = arith.constant 0 : i32
    %scan3A_88 = arith.constant 8 : i32
    %scan3A_89 = arith.addi %scan3A_87, %scan3A_88 : i32
    %scan3A_90 = arith.constant 1 : i32
    scf.for %scan3A_102 = %scan3A_87 to %scan3A_89 step %scan3A_90  : i32 {
      %mul3A_103 = arith.constant 16 : i32
      %mul3A_104 = arith.muli %scan3A_102, %mul3A_103 : i32
      %add3A_105 = arith.constant 0 : i32
      %add3A_106 = arith.addi %add3A_105, %mul3A_104 : i32
      %add3A_107 = arith.constant 128 : i32
      %add3A_108 = arith.addi %add3A_107, %add3A_106 : i32
      %get3A = arith.constant 1 : i32
      %get3A_109 = arith.index_cast %get3A : i32 to index
      %get3A_110 = arith.index_cast %add3A_106 : i32 to index
      %get3A_111 = tpu.vector_load %arg8[%get3A_109, %get3A_110] {strides = array<i32>} : memref<4x128xi32, #tpu.memory_space<vmem>>, vector<16xi32>,
      %gather3A = tpu.vector_load_idx %arg10[%get3A_111] : memref<1024xf32, #tpu.memory_space<vmem>>[vector<16xi32>], vector<16xf32>,
      %get3A_112 = arith.index_cast %add3A_108 : i32 to index
      %get3A_113 = tpu.vector_load %arg9[%get3A_112] {strides = array<i32>} : memref<512xf32, #tpu.memory_space<vmem>>, vector<16xf32>,
      %add3A_114 = arith.addf %get3A_113, %gather3A : vector<16xf32>
      %swap3A = arith.index_cast %add3A_108 : i32 to index
      %swap3A_115 = tpu.vector_load %arg11[%swap3A] {strides = array<i32>} : memref<512xf32, #tpu.memory_space<vmem>>, vector<16xf32>,
      tpu.vector_store %arg11[%swap3A], %add3A_114 {strides = array<i32>} : memref<512xf32, #tpu.memory_space<vmem>>, vector<16xf32>,
    }
    %scan3A_91 = arith.constant 8 : i32
    %scan3A_92 = arith.constant 0 : i32
    %scan3A_93 = arith.constant 8 : i32
    %scan3A_94 = arith.addi %scan3A_92, %scan3A_93 : i32
    %scan3A_95 = arith.constant 1 : i32
    scf.for %scan3A_102 = %scan3A_92 to %scan3A_94 step %scan3A_95  : i32 {
      %mul3A_103 = arith.constant 16 : i32
      %mul3A_104 = arith.muli %scan3A_102, %mul3A_103 : i32
      %add3A_105 = arith.constant 0 : i32
      %add3A_106 = arith.addi %add3A_105, %mul3A_104 : i32
      %add3A_107 = arith.constant 256 : i32
      %add3A_108 = arith.addi %add3A_107, %add3A_106 : i32
      %get3A = arith.constant 2 : i32
      %get3A_109 = arith.index_cast %get3A : i32 to index
      %get3A_110 = arith.index_cast %add3A_106 : i32 to index
      %get3A_111 = tpu.vector_load %arg8[%get3A_109, %get3A_110] {strides = array<i32>} : memref<4x128xi32, #tpu.memory_space<vmem>>, vector<16xi32>,
      %gather3A = tpu.vector_load_idx %arg10[%get3A_111] : memref<1024xf32, #tpu.memory_space<vmem>>[vector<16xi32>], vector<16xf32>,
      %get3A_112 = arith.index_cast %add3A_108 : i32 to index
      %get3A_113 = tpu.vector_load %arg9[%get3A_112] {strides = array<i32>} : memref<512xf32, #tpu.memory_space<vmem>>, vector<16xf32>,
      %add3A_114 = arith.addf %get3A_113, %gather3A : vector<16xf32>
      %swap3A = arith.index_cast %add3A_108 : i32 to index
      %swap3A_115 = tpu.vector_load %arg11[%swap3A] {strides = array<i32>} : memref<512xf32, #tpu.memory_space<vmem>>, vector<16xf32>,
      tpu.vector_store %arg11[%swap3A], %add3A_114 {strides = array<i32>} : memref<512xf32, #tpu.memory_space<vmem>>, vector<16xf32>,
    }
    %scan3A_96 = arith.constant 8 : i32
    %scan3A_97 = arith.constant 0 : i32
    %scan3A_98 = arith.constant 8 : i32
    %scan3A_99 = arith.addi %scan3A_97, %scan3A_98 : i32
    %scan3A_100 = arith.constant 1 : i32
    scf.for %scan3A_102 = %scan3A_97 to %scan3A_99 step %scan3A_100  : i32 {
      %mul3A_103 = arith.constant 16 : i32
      %mul3A_104 = arith.muli %scan3A_102, %mul3A_103 : i32
      %add3A_105 = arith.constant 0 : i32
      %add3A_106 = arith.addi %add3A_105, %mul3A_104 : i32
      %add3A_107 = arith.constant 384 : i32
      %add3A_108 = arith.addi %add3A_107, %add3A_106 : i32
      %get3A = arith.constant 3 : i32
      %get3A_109 = arith.index_cast %get3A : i32 to index
      %get3A_110 = arith.index_cast %add3A_106 : i32 to index
      %get3A_111 = tpu.vector_load %arg8[%get3A_109, %get3A_110] {strides = array<i32>} : memref<4x128xi32, #tpu.memory_space<vmem>>, vector<16xi32>,
      %gather3A = tpu.vector_load_idx %arg10[%get3A_111] : memref<1024xf32, #tpu.memory_space<vmem>>[vector<16xi32>], vector<16xf32>,
      %get3A_112 = arith.index_cast %add3A_108 : i32 to index
      %get3A_113 = tpu.vector_load %arg9[%get3A_112] {strides = array<i32>} : memref<512xf32, #tpu.memory_space<vmem>>, vector<16xf32>,
      %add3A_114 = arith.addf %get3A_113, %gather3A : vector<16xf32>
      %swap3A = arith.index_cast %add3A_108 : i32 to index
      %swap3A_115 = tpu.vector_load %arg11[%swap3A] {strides = array<i32>} : memref<512xf32, #tpu.memory_space<vmem>>, vector<16xf32>,
      tpu.vector_store %arg11[%swap3A], %add3A_114 {strides = array<i32>} : memref<512xf32, #tpu.memory_space<vmem>>, vector<16xf32>,
    }
    %scan3A_101 = arith.constant 8 : i32
    "tpu.region"() ({
      %run_scoped3A = tpu.sem_alloc : memref<!tpu.dma_semaphore, #tpu.memory_space<semaphore_mem>>
      %dma_start3A_102 = tpu.memref_slice %arg6[%mul3A_2] : memref<16384xf32, #tpu.memory_space<hbm>> -> memref<512xf32, #tpu.memory_space<hbm>>
      %dma_start3A_103 = tpu.memref_slice %arg6[%mul3A_2] : memref<16384xf32, #tpu.memory_space<hbm>> -> memref<512xf32, #tpu.memory_space<hbm>>
      tpu.enqueue_dma source(%arg11 : memref<512xf32, #tpu.memory_space<vmem>>) target(%dma_start3A_103 : memref<512xf32, #tpu.memory_space<hbm>>) target_semaphore(%run_scoped3A : memref<!tpu.dma_semaphore, #tpu.memory_space<semaphore_mem>>)
      %dma_wait3A_104 = tpu.memref_slice %arg6[%mul3A_2] : memref<16384xf32, #tpu.memory_space<hbm>> -> memref<512xf32, #tpu.memory_space<hbm>>
      %dma_wait3A_105 = tpu.memref_slice %arg6[%mul3A_2] : memref<16384xf32, #tpu.memory_space<hbm>> -> memref<512xf32, #tpu.memory_space<hbm>>
      tpu.wait_dma2 semaphore(%run_scoped3A : memref<!tpu.dma_semaphore, #tpu.memory_space<semaphore_mem>>) src(%arg11 : memref<512xf32, #tpu.memory_space<vmem>>) dst(%dma_wait3A_105 : memref<512xf32, #tpu.memory_space<hbm>>)
      tpu.yield
    }) : () -> ()
    return
  }
}

#map = affine_map<(d0, d1) -> (0, 0)>
#map1 = affine_map<(d0, d1) -> (0)>
module attributes {stable_mosaic.version = 14 : i64} {
  func.func @_add_user(%arg0: i32, %arg1: i32, %arg2: memref<128x128xi32, #tpu.memory_space<hbm>>, %arg3: memref<1000448xf32, #tpu.memory_space<hbm>>, %arg4: memref<16384xf32, #tpu.memory_space<hbm>>, %arg5: memref<16384xf32, #tpu.memory_space<hbm>>, %arg6: memref<4x128xi32, #tpu.memory_space<vmem>>, %arg7: memref<512xf32, #tpu.memory_space<vmem>>, %arg8: memref<512xf32, #tpu.memory_space<vmem>>, %arg9: memref<!tpu.dma_semaphore, #tpu.memory_space<semaphore_mem>>) attributes {dimension_semantics = [#tpu.dimension_semantics<core_parallel>, #tpu.dimension_semantics<subcore_parallel>], iteration_bounds = array<i64: 2, 16>, scalar_prefetch = 0 : i64, scratch_operands = 4 : i64, tpu.core_type = #tpu.core_type<sc_vector_subcore>, window_params = [{transform_indices = #map}, {transform_indices = #map1}, {transform_indices = #map1}, {transform_indices = #map1}]} {
    %mul3A = arith.constant 2 : i32
    %mul3A_0 = arith.muli %arg1, %mul3A : i32
    %add3A = arith.addi %mul3A_0, %arg0 : i32
    %mul3A_1 = arith.constant 512 : i32
    %mul3A_2 = arith.muli %add3A, %mul3A_1 : i32
    %mul3A_3 = arith.constant 4 : i32
    %mul3A_4 = arith.muli %add3A, %mul3A_3 : i32
    %dma_start3A = arith.constant 0 : i32
    %dma_start3A_5 = tpu.memref_slice %arg2[%mul3A_4, %dma_start3A] : memref<128x128xi32, #tpu.memory_space<hbm>> -> memref<4x128xi32, #tpu.memory_space<hbm>>
    %dma_start3A_6 = arith.constant 0 : i32
    %dma_start3A_7 = tpu.memref_slice %arg2[%mul3A_4, %dma_start3A_6] : memref<128x128xi32, #tpu.memory_space<hbm>> -> memref<4x128xi32, #tpu.memory_space<hbm>>
    tpu.enqueue_dma source(%dma_start3A_7 : memref<4x128xi32, #tpu.memory_space<hbm>>) target(%arg6 : memref<4x128xi32, #tpu.memory_space<vmem>>) target_semaphore(%arg9 : memref<!tpu.dma_semaphore, #tpu.memory_space<semaphore_mem>>)
    %dma_start3A_8 = tpu.memref_slice %arg4[%mul3A_2] : memref<16384xf32, #tpu.memory_space<hbm>> -> memref<512xf32, #tpu.memory_space<hbm>>
    %dma_start3A_9 = tpu.memref_slice %arg4[%mul3A_2] : memref<16384xf32, #tpu.memory_space<hbm>> -> memref<512xf32, #tpu.memory_space<hbm>>
    tpu.enqueue_dma source(%dma_start3A_9 : memref<512xf32, #tpu.memory_space<hbm>>) target(%arg8 : memref<512xf32, #tpu.memory_space<vmem>>) target_semaphore(%arg9 : memref<!tpu.dma_semaphore, #tpu.memory_space<semaphore_mem>>)
    %dma_wait3A = arith.constant 0 : i32
    %dma_wait3A_10 = tpu.memref_slice %arg2[%mul3A_4, %dma_wait3A] : memref<128x128xi32, #tpu.memory_space<hbm>> -> memref<4x128xi32, #tpu.memory_space<hbm>>
    %dma_wait3A_11 = arith.constant 0 : i32
    %dma_wait3A_12 = tpu.memref_slice %arg2[%mul3A_4, %dma_wait3A_11] : memref<128x128xi32, #tpu.memory_space<hbm>> -> memref<4x128xi32, #tpu.memory_space<hbm>>
    tpu.wait_dma2 semaphore(%arg9 : memref<!tpu.dma_semaphore, #tpu.memory_space<semaphore_mem>>) src(%dma_wait3A_12 : memref<4x128xi32, #tpu.memory_space<hbm>>) dst(%arg6 : memref<4x128xi32, #tpu.memory_space<vmem>>)
    %dma_wait3A_13 = tpu.memref_slice %arg4[%mul3A_2] : memref<16384xf32, #tpu.memory_space<hbm>> -> memref<512xf32, #tpu.memory_space<hbm>>
    %dma_wait3A_14 = tpu.memref_slice %arg4[%mul3A_2] : memref<16384xf32, #tpu.memory_space<hbm>> -> memref<512xf32, #tpu.memory_space<hbm>>
    tpu.wait_dma2 semaphore(%arg9 : memref<!tpu.dma_semaphore, #tpu.memory_space<semaphore_mem>>) src(%dma_wait3A_14 : memref<512xf32, #tpu.memory_space<hbm>>) dst(%arg8 : memref<512xf32, #tpu.memory_space<vmem>>)
    %dma_start3A_15 = arith.constant 0 : i32
    %dma_start3A_16 = arith.constant 0 : i32
    %dma_start3A_17 = tpu.memref_slice %arg7[%dma_start3A_16] : memref<512xf32, #tpu.memory_space<vmem>> -> memref<128xf32, #tpu.memory_space<vmem>>
    %dma_start3A_18 = arith.constant 0 : i32
    %dma_start3A_19 = tpu.memref_slice %arg6[%dma_start3A_15, %dma_start3A_18] : memref<4x128xi32, #tpu.memory_space<vmem>> -> memref<1x128xi32, #tpu.memory_space<vmem>>
    %dma_start3A_20 = tpu.memref_squeeze %dma_start3A_19 : memref<1x128xi32, #tpu.memory_space<vmem>> -> memref<128xi32, #tpu.memory_space<vmem>>
    %dma_start3A_21 = arith.constant 0 : i32
    %dma_start3A_22 = tpu.memref_slice %arg3[%dma_start3A_21] : memref<1000448xf32, #tpu.memory_space<hbm>> -> memref<1000448xf32, #tpu.memory_space<hbm>>
    tpu.enqueue_indirect_dma source(%dma_start3A_22 : memref<1000448xf32, #tpu.memory_space<hbm>>) target(%dma_start3A_17 : memref<128xf32, #tpu.memory_space<vmem>>) offsets(%dma_start3A_20 : memref<128xi32, #tpu.memory_space<vmem>>) semaphore(%arg9 : memref<!tpu.dma_semaphore, #tpu.memory_space<semaphore_mem>>)
    %dma_start3A_23 = arith.constant 1 : i32
    %dma_start3A_24 = arith.constant 128 : i32
    %dma_start3A_25 = tpu.memref_slice %arg7[%dma_start3A_24] : memref<512xf32, #tpu.memory_space<vmem>> -> memref<128xf32, #tpu.memory_space<vmem>>
    %dma_start3A_26 = arith.constant 0 : i32
    %dma_start3A_27 = tpu.memref_slice %arg6[%dma_start3A_23, %dma_start3A_26] : memref<4x128xi32, #tpu.memory_space<vmem>> -> memref<1x128xi32, #tpu.memory_space<vmem>>
    %dma_start3A_28 = tpu.memref_squeeze %dma_start3A_27 : memref<1x128xi32, #tpu.memory_space<vmem>> -> memref<128xi32, #tpu.memory_space<vmem>>
    %dma_start3A_29 = arith.constant 0 : i32
    %dma_start3A_30 = tpu.memref_slice %arg3[%dma_start3A_29] : memref<1000448xf32, #tpu.memory_space<hbm>> -> memref<1000448xf32, #tpu.memory_space<hbm>>
    tpu.enqueue_indirect_dma source(%dma_start3A_30 : memref<1000448xf32, #tpu.memory_space<hbm>>) target(%dma_start3A_25 : memref<128xf32, #tpu.memory_space<vmem>>) offsets(%dma_start3A_28 : memref<128xi32, #tpu.memory_space<vmem>>) semaphore(%arg9 : memref<!tpu.dma_semaphore, #tpu.memory_space<semaphore_mem>>)
    %dma_start3A_31 = arith.constant 2 : i32
    %dma_start3A_32 = arith.constant 256 : i32
    %dma_start3A_33 = tpu.memref_slice %arg7[%dma_start3A_32] : memref<512xf32, #tpu.memory_space<vmem>> -> memref<128xf32, #tpu.memory_space<vmem>>
    %dma_start3A_34 = arith.constant 0 : i32
    %dma_start3A_35 = tpu.memref_slice %arg6[%dma_start3A_31, %dma_start3A_34] : memref<4x128xi32, #tpu.memory_space<vmem>> -> memref<1x128xi32, #tpu.memory_space<vmem>>
    %dma_start3A_36 = tpu.memref_squeeze %dma_start3A_35 : memref<1x128xi32, #tpu.memory_space<vmem>> -> memref<128xi32, #tpu.memory_space<vmem>>
    %dma_start3A_37 = arith.constant 0 : i32
    %dma_start3A_38 = tpu.memref_slice %arg3[%dma_start3A_37] : memref<1000448xf32, #tpu.memory_space<hbm>> -> memref<1000448xf32, #tpu.memory_space<hbm>>
    tpu.enqueue_indirect_dma source(%dma_start3A_38 : memref<1000448xf32, #tpu.memory_space<hbm>>) target(%dma_start3A_33 : memref<128xf32, #tpu.memory_space<vmem>>) offsets(%dma_start3A_36 : memref<128xi32, #tpu.memory_space<vmem>>) semaphore(%arg9 : memref<!tpu.dma_semaphore, #tpu.memory_space<semaphore_mem>>)
    %dma_start3A_39 = arith.constant 3 : i32
    %dma_start3A_40 = arith.constant 384 : i32
    %dma_start3A_41 = tpu.memref_slice %arg7[%dma_start3A_40] : memref<512xf32, #tpu.memory_space<vmem>> -> memref<128xf32, #tpu.memory_space<vmem>>
    %dma_start3A_42 = arith.constant 0 : i32
    %dma_start3A_43 = tpu.memref_slice %arg6[%dma_start3A_39, %dma_start3A_42] : memref<4x128xi32, #tpu.memory_space<vmem>> -> memref<1x128xi32, #tpu.memory_space<vmem>>
    %dma_start3A_44 = tpu.memref_squeeze %dma_start3A_43 : memref<1x128xi32, #tpu.memory_space<vmem>> -> memref<128xi32, #tpu.memory_space<vmem>>
    %dma_start3A_45 = arith.constant 0 : i32
    %dma_start3A_46 = tpu.memref_slice %arg3[%dma_start3A_45] : memref<1000448xf32, #tpu.memory_space<hbm>> -> memref<1000448xf32, #tpu.memory_space<hbm>>
    tpu.enqueue_indirect_dma source(%dma_start3A_46 : memref<1000448xf32, #tpu.memory_space<hbm>>) target(%dma_start3A_41 : memref<128xf32, #tpu.memory_space<vmem>>) offsets(%dma_start3A_44 : memref<128xi32, #tpu.memory_space<vmem>>) semaphore(%arg9 : memref<!tpu.dma_semaphore, #tpu.memory_space<semaphore_mem>>)
    %dma_wait3A_47 = arith.constant 0 : i32
    %dma_wait3A_48 = arith.constant 0 : i32
    %dma_wait3A_49 = tpu.memref_slice %arg7[%dma_wait3A_48] : memref<512xf32, #tpu.memory_space<vmem>> -> memref<128xf32, #tpu.memory_space<vmem>>
    %dma_wait3A_50 = arith.constant 0 : i32
    %dma_wait3A_51 = tpu.memref_slice %arg6[%dma_wait3A_47, %dma_wait3A_50] : memref<4x128xi32, #tpu.memory_space<vmem>> -> memref<1x128xi32, #tpu.memory_space<vmem>>
    %dma_wait3A_52 = tpu.memref_squeeze %dma_wait3A_51 : memref<1x128xi32, #tpu.memory_space<vmem>> -> memref<128xi32, #tpu.memory_space<vmem>>
    %dma_wait3A_53 = arith.constant 0 : i32
    %dma_wait3A_54 = tpu.memref_slice %arg3[%dma_wait3A_53] : memref<1000448xf32, #tpu.memory_space<hbm>> -> memref<1000448xf32, #tpu.memory_space<hbm>>
    tpu.wait_indirect_dma semaphore(%arg9 : memref<!tpu.dma_semaphore, #tpu.memory_space<semaphore_mem>>) src(%dma_wait3A_54 : memref<1000448xf32, #tpu.memory_space<hbm>>) dst(%dma_wait3A_49 : memref<128xf32, #tpu.memory_space<vmem>>)
    %dma_wait3A_55 = arith.constant 1 : i32
    %dma_wait3A_56 = arith.constant 128 : i32
    %dma_wait3A_57 = tpu.memref_slice %arg7[%dma_wait3A_56] : memref<512xf32, #tpu.memory_space<vmem>> -> memref<128xf32, #tpu.memory_space<vmem>>
    %dma_wait3A_58 = arith.constant 0 : i32
    %dma_wait3A_59 = tpu.memref_slice %arg6[%dma_wait3A_55, %dma_wait3A_58] : memref<4x128xi32, #tpu.memory_space<vmem>> -> memref<1x128xi32, #tpu.memory_space<vmem>>
    %dma_wait3A_60 = tpu.memref_squeeze %dma_wait3A_59 : memref<1x128xi32, #tpu.memory_space<vmem>> -> memref<128xi32, #tpu.memory_space<vmem>>
    %dma_wait3A_61 = arith.constant 0 : i32
    %dma_wait3A_62 = tpu.memref_slice %arg3[%dma_wait3A_61] : memref<1000448xf32, #tpu.memory_space<hbm>> -> memref<1000448xf32, #tpu.memory_space<hbm>>
    tpu.wait_indirect_dma semaphore(%arg9 : memref<!tpu.dma_semaphore, #tpu.memory_space<semaphore_mem>>) src(%dma_wait3A_62 : memref<1000448xf32, #tpu.memory_space<hbm>>) dst(%dma_wait3A_57 : memref<128xf32, #tpu.memory_space<vmem>>)
    %dma_wait3A_63 = arith.constant 2 : i32
    %dma_wait3A_64 = arith.constant 256 : i32
    %dma_wait3A_65 = tpu.memref_slice %arg7[%dma_wait3A_64] : memref<512xf32, #tpu.memory_space<vmem>> -> memref<128xf32, #tpu.memory_space<vmem>>
    %dma_wait3A_66 = arith.constant 0 : i32
    %dma_wait3A_67 = tpu.memref_slice %arg6[%dma_wait3A_63, %dma_wait3A_66] : memref<4x128xi32, #tpu.memory_space<vmem>> -> memref<1x128xi32, #tpu.memory_space<vmem>>
    %dma_wait3A_68 = tpu.memref_squeeze %dma_wait3A_67 : memref<1x128xi32, #tpu.memory_space<vmem>> -> memref<128xi32, #tpu.memory_space<vmem>>
    %dma_wait3A_69 = arith.constant 0 : i32
    %dma_wait3A_70 = tpu.memref_slice %arg3[%dma_wait3A_69] : memref<1000448xf32, #tpu.memory_space<hbm>> -> memref<1000448xf32, #tpu.memory_space<hbm>>
    tpu.wait_indirect_dma semaphore(%arg9 : memref<!tpu.dma_semaphore, #tpu.memory_space<semaphore_mem>>) src(%dma_wait3A_70 : memref<1000448xf32, #tpu.memory_space<hbm>>) dst(%dma_wait3A_65 : memref<128xf32, #tpu.memory_space<vmem>>)
    %dma_wait3A_71 = arith.constant 3 : i32
    %dma_wait3A_72 = arith.constant 384 : i32
    %dma_wait3A_73 = tpu.memref_slice %arg7[%dma_wait3A_72] : memref<512xf32, #tpu.memory_space<vmem>> -> memref<128xf32, #tpu.memory_space<vmem>>
    %dma_wait3A_74 = arith.constant 0 : i32
    %dma_wait3A_75 = tpu.memref_slice %arg6[%dma_wait3A_71, %dma_wait3A_74] : memref<4x128xi32, #tpu.memory_space<vmem>> -> memref<1x128xi32, #tpu.memory_space<vmem>>
    %dma_wait3A_76 = tpu.memref_squeeze %dma_wait3A_75 : memref<1x128xi32, #tpu.memory_space<vmem>> -> memref<128xi32, #tpu.memory_space<vmem>>
    %dma_wait3A_77 = arith.constant 0 : i32
    %dma_wait3A_78 = tpu.memref_slice %arg3[%dma_wait3A_77] : memref<1000448xf32, #tpu.memory_space<hbm>> -> memref<1000448xf32, #tpu.memory_space<hbm>>
    tpu.wait_indirect_dma semaphore(%arg9 : memref<!tpu.dma_semaphore, #tpu.memory_space<semaphore_mem>>) src(%dma_wait3A_78 : memref<1000448xf32, #tpu.memory_space<hbm>>) dst(%dma_wait3A_73 : memref<128xf32, #tpu.memory_space<vmem>>)
    %scan3A = arith.constant 0 : i32
    %scan3A_79 = arith.constant 32 : i32
    %scan3A_80 = arith.addi %scan3A, %scan3A_79 : i32
    %scan3A_81 = arith.constant 1 : i32
    scf.for %scan3A_83 = %scan3A to %scan3A_80 step %scan3A_81  : i32 {
      %mul3A_84 = arith.constant 16 : i32
      %mul3A_85 = arith.muli %scan3A_83, %mul3A_84 : i32
      %add3A_86 = arith.constant 0 : i32
      %add3A_87 = arith.addi %add3A_86, %mul3A_85 : i32
      %get3A = arith.index_cast %add3A_87 : i32 to index
      %get3A_88 = tpu.vector_load %arg8[%get3A] {strides = array<i32>} : memref<512xf32, #tpu.memory_space<vmem>>, vector<16xf32>,
      %get3A_89 = arith.index_cast %add3A_87 : i32 to index
      %get3A_90 = tpu.vector_load %arg7[%get3A_89] {strides = array<i32>} : memref<512xf32, #tpu.memory_space<vmem>>, vector<16xf32>,
      %add3A_91 = arith.addf %get3A_88, %get3A_90 : vector<16xf32>
      %swap3A = arith.index_cast %add3A_87 : i32 to index
      %swap3A_92 = tpu.vector_load %arg8[%swap3A] {strides = array<i32>} : memref<512xf32, #tpu.memory_space<vmem>>, vector<16xf32>,
      tpu.vector_store %arg8[%swap3A], %add3A_91 {strides = array<i32>} : memref<512xf32, #tpu.memory_space<vmem>>, vector<16xf32>,
    }
    %scan3A_82 = arith.constant 32 : i32
    "tpu.region"() ({
      %run_scoped3A = tpu.sem_alloc : memref<!tpu.dma_semaphore, #tpu.memory_space<semaphore_mem>>
      %dma_start3A_83 = tpu.memref_slice %arg5[%mul3A_2] : memref<16384xf32, #tpu.memory_space<hbm>> -> memref<512xf32, #tpu.memory_space<hbm>>
      %dma_start3A_84 = tpu.memref_slice %arg5[%mul3A_2] : memref<16384xf32, #tpu.memory_space<hbm>> -> memref<512xf32, #tpu.memory_space<hbm>>
      tpu.enqueue_dma source(%arg8 : memref<512xf32, #tpu.memory_space<vmem>>) target(%dma_start3A_84 : memref<512xf32, #tpu.memory_space<hbm>>) target_semaphore(%run_scoped3A : memref<!tpu.dma_semaphore, #tpu.memory_space<semaphore_mem>>)
      %dma_wait3A_85 = tpu.memref_slice %arg5[%mul3A_2] : memref<16384xf32, #tpu.memory_space<hbm>> -> memref<512xf32, #tpu.memory_space<hbm>>
      %dma_wait3A_86 = tpu.memref_slice %arg5[%mul3A_2] : memref<16384xf32, #tpu.memory_space<hbm>> -> memref<512xf32, #tpu.memory_space<hbm>>
      tpu.wait_dma2 semaphore(%run_scoped3A : memref<!tpu.dma_semaphore, #tpu.memory_space<semaphore_mem>>) src(%arg8 : memref<512xf32, #tpu.memory_space<vmem>>) dst(%dma_wait3A_86 : memref<512xf32, #tpu.memory_space<hbm>>)
      tpu.yield
    }) : () -> ()
    return
  }
}

</mosaic_0001>

<sc_bundles>
// kernel: kernel.4.cloned.1.call-start
scs
__scs_entry_jumppad:
0x0: {  	(pc) =	sbr.rel $0x88, $3  }
0x1: {  	(tag) =	ssettag $0x0;
	lr =	simm.s32 $0x1  }
0x2: {  	[smem:$0x3F9B] =	sst lr;
	_ =	strace $0xD0000000  }
0x3: {  	_ = 	snop  }
0x4: {  	_ = 	snop  }
0x5: {  	_ = 	snop  }
0x6: {  	_ = 	snop  }
0x7: {  	_ = 	snop  }
__scs_overlays_trampoline_lowered:
0x8: {  	[smem:$0x3FAA] =	sst s0  }
0x9: {  	[smem:$0x3FAB] =	sst s1  }
0xa: {  	[smem:$0x3FAC] =	sst s2  }
0xb: {  	[smem:$0x3FAD] =	sst s3  }
0xc: {  	[smem:$0x3FAE] =	sst s4  }
0xd: {  	[smem:$0x3FAF] =	sst s5  }
0xe: {  	[smem:$0x3FB0] =	sst s6  }
0xf: {  	[smem:$0x3FB1] =	sst s7  }
0x10: {  	[smem:$0x3FB2] =	sst s8  }
0x11: {  	[smem:$0x3FB3] =	sst s9;
	s0 =	simm.s32 @!p0 $0x0  }
0x12: {  	s1 =	sld [smem:$0x3F99];
	s0 =	simm.s32 @p0 $0x1  }
0x13: {  	[smem:$0x3FB4] =	sst s0;
	s0 =	simm.s32 @!p1 $0x0  }
0x14: {  	s2 =	sld [smem:$0x3F98];
	s0 =	simm.s32 @p1 $0x1  }
0x15: {  	[smem:$0x3FB5] =	sst s0;
	s0 =	simm.s32 @!p2 $0x0  }
0x16: {  	s3 =	sld [smem:$0x3FDB];
	s0 =	simm.s32 @p2 $0x1  }
0x17: {  	s4 =	simm.s32 $0x1BF5;
	[smem:$0x3FB7] =	sst s0  }
0x18: {  	s0 =	sld [smem:$0x3F9A];
	_ =	swait.ge [sflag:s4], $0x0  }
0x19: {  	s7 =	sld [smem:$0x3F9B]  }
0x1a: {  	s8 =	sadd.s32 $0xFFFFE003, lr  }
0x1b: {  	s9 =	sadd.s32 $0xFFFFFEF7, lr;
	s5 =	simm.s32 $0xFFFFFFFF;
	p2 =	slt.u32 s8, $0xFFFFF086  }
0x1c: {  	p1 =	slt.u32 s9, $0xF7A;
	s5 =	simm.s32 @!p2 $0x0  }
0x1d: {  	s5 =	simm.s32 @p1 $0x1;
	p0 =	seq.s32 s7, s2  }
0x1e: {  	s7 =	smul.u32 @!p0 $0xF7A, s2;
	p2 =	seq.s32 @!p0 s5, $0x0  }
0x1f: {  	s9 =	smul.u32 $0xF7A, s1;
	s8 =	simm.s32 @!p0 $0x1BF5;
	p2 =	por !p2, p0  }
0x20: {  	[sflag:s8] =	ssyncset.s32 @!p0 $0xFFFFF086;
	s6 =	sadd.s32 @!p0 s3, s7;
	s7 =	simm.s32 @!p0 $0x108  }
0x21: {  	s3 =	sadd.s32 s3, s9;
	s6 =	sadd.s32 @!p0 $0x88, s6;
	s7 =	simm.s32 @p2 $0x1082  }
0x22: {  	[simem:s7], [sflag:s8] =	dma.local @!p0 [hbm:s6], $0xF7A  }
0x23: {  	s9 =	sor.u32 $0xD0000000, s2;
	s6 =	simm.s32 $0x108;
	_ =	swait.ge @!p0 [sflag:s8], $0x0  }
0x24: {  	s3 =	sadd.s32 $0x88, s3;
	s6 =	simm.s32 @!p1 $0x1082;
	[sflag:s4] =	ssyncset.s32 $0xFFFFF086  }
0x25: {  	[simem:s6], [sflag:s4] =	dma.local [hbm:s3], $0xF7A  }
0x26: {  	[smem:$0x3F9B] =	sst s1;
	(tag) =	ssettag s2;
	_ =	strace s9  }
0x27: {  	s1 =	sld [smem:$0x3FAB]  }
0x28: {  	s2 =	sld [smem:$0x3FAC]  }
0x29: {  	s4 =	sld [smem:$0x3FAE]  }
0x2a: {  	p0 =	seq.s32 s5, $0x0;
	s5 =	sld [smem:$0x3FAF]  }
0x2b: {  	s6 =	sld [smem:$0x3FB0]  }
0x2c: {  	s7 =	sld [smem:$0x3FB1]  }
0x2d: {  	s3 =	simm.s32 $0x108;
	s8 =	sld [smem:$0x3FB2]  }
0x2e: {  	s3 =	simm.s32 @!p0 $0x1082;
	s9 =	sld [smem:$0x3FB3]  }
0x2f: {  	lr =	sadd.s32 s0, s3;
	s0 =	sld [smem:$0x3FAA]  }
0x30: {  	s3 =	sld [smem:$0x3FAD]  }
0x31: {  	[smem:$0x3FB6] =	sst s10  }
0x32: {  	s10 =	sld [smem:$0x3FB4];
	_ =	sdelay $0x3  }
0x33: {  	p0 =	seq.s32 s10, $0x1;
	s10 =	sld [smem:$0x3FB6];
	_ =	sdelay $0x3  }
0x34: {  	[smem:$0x3FB6] =	sst s10  }
0x35: {  	s10 =	sld [smem:$0x3FB5];
	_ =	sdelay $0x3  }
0x36: {  	p1 =	seq.s32 s10, $0x1;
	s10 =	sld [smem:$0x3FB6];
	_ =	sdelay $0x3  }
0x37: {  	[smem:$0x3FB6] =	sst s10  }
0x38: {  	s10 =	sld [smem:$0x3FB7]  }
0x39: {  	_ = 	snop;
	(pc) =	sbr.ind lr, $3  }
0x3a: {  	_ = 	snop  }
0x3b: {  	_ = 	snop  }
0x3c: {  	p2 =	seq.s32 s10, $0x1;
	s10 =	sld [smem:$0x3FB6]  }
0x3d: {  	_ =	shalt  }
0x3e: {  	_ =	shalt  }
0x3f: {  	_ =	shalt  }
0x40: {  	_ =	shalt  }
0x41: {  	_ =	shalt  }
0x42: {  	_ =	shalt  }
0x43: {  	_ =	shalt  }
0x44: {  	_ =	shalt  }
0x45: {  	_ =	shalt  }
0x46: {  	_ =	shalt  }
0x47: {  	_ =	shalt  }
0x48: {  	_ =	shalt  }
0x49: {  	_ =	shalt  }
0x4a: {  	_ =	shalt  }
0x4b: {  	_ =	shalt  }
0x4c: {  	_ =	shalt  }
0x4d: {  	_ =	shalt  }
0x4e: {  	_ =	shalt  }
0x4f: {  	_ =	shalt  }
0x50: {  	_ =	shalt  }
0x51: {  	_ =	shalt  }
0x52: {  	_ =	shalt  }
0x53: {  	_ =	shalt  }
0x54: {  	_ =	shalt  }
0x55: {  	_ =	shalt  }
0x56: {  	_ =	shalt  }
0x57: {  	_ =	shalt  }
0x58: {  	_ =	shalt  }
0x59: {  	_ =	shalt  }
0x5a: {  	_ =	shalt  }
0x5b: {  	_ =	shalt  }
0x5c: {  	_ =	shalt  }
0x5d: {  	_ =	shalt  }
0x5e: {  	_ =	shalt  }
0x5f: {  	_ =	shalt  }
0x60: {  	_ =	shalt  }
0x61: {  	_ =	shalt  }
0x62: {  	_ =	shalt  }
0x63: {  	_ =	shalt  }
0x64: {  	_ =	shalt  }
0x65: {  	_ =	shalt  }
0x66: {  	_ =	shalt  }
0x67: {  	_ =	shalt  }
0x68: {  	_ =	shalt  }
0x69: {  	_ =	shalt  }
0x6a: {  	_ =	shalt  }
0x6b: {  	_ =	shalt  }
0x6c: {  	_ =	shalt  }
0x6d: {  	_ =	shalt  }
0x6e: {  	_ =	shalt  }
0x6f: {  	_ =	shalt  }
0x70: {  	_ =	shalt  }
0x71: {  	_ =	shalt  }
0x72: {  	_ =	shalt  }
0x73: {  	_ =	shalt  }
0x74: {  	_ =	shalt  }
0x75: {  	_ =	shalt  }
0x76: {  	_ =	shalt  }
0x77: {  	_ =	shalt  }
0x78: {  	_ =	shalt  }
0x79: {  	_ =	shalt  }
0x7a: {  	_ =	shalt  }
0x7b: {  	_ =	shalt  }
0x7c: {  	_ =	shalt  }
0x7d: {  	_ =	shalt  }
0x7e: {  	_ =	shalt  }
0x7f: {  	_ =	shalt  }
0x80: {  	_ =	shalt  }
0x81: {  	_ =	shalt  }
0x82: {  	_ =	shalt  }
0x83: {  	_ =	shalt  }
0x84: {  	_ =	shalt  }
0x85: {  	_ =	shalt  }
0x86: {  	_ =	shalt  }
0x87: {  	_ =	shalt  }
.Lfunc_end0:
.L_simem_size_0:
called_computation_lowered:
.L_overlay_start_0:
0x88: {  	s2 =	sld [smem:$0x3FD9]  }
0x89: {  	s3 =	sld [smem:$0x3FFE];
	_ =	sdelay $0x1  }
0x8a: {  	s1 =	srdreg.scid  }
0x8b: {  	s0 =	sand.u32 $0x1, s1  }
0x8c: {  	s17 =	sshll.u32 s0, $0xA;
	s2 =	sadd.s32 s3, s2  }
0x8d: {  	s2 =	sadd.s32 s2, s17  }
0x8e: {  	[smem:$0x3FC2] =	sst s2  }
0x8f: {  	_ = 	snop  }
0x90: {  	s2 =	sld [smem:$0x3FC8]  }
0x91: {  	s18 =	sld [smem:$0x3FC7]  }
0x92: {  	s4 =	sld [smem:$0x3FD0];
	(tm) =	ssettm $0x1  }
0x93: {  	s5 =	sld [smem:$0x3FFB];
	_ =	sdelay $0x3  }
0x94: {  	_ =	strace s5  }
0x95: {  	s5 =	sld [smem:$0x3FFC];
	_ =	sdelay $0x3  }
0x96: {  	_ =	strace s5  }
0x97: {  	s5 =	sld [smem:$0x3FFD];
	_ =	sdelay $0x3  }
0x98: {  	_ =	strace s5  }
0x99: {  	_ =	strace $0x8FFFFFFF  }
0x9a: {  	s19 =	sld [smem:$0x3FDB];
	_ =	sdelay $0x1  }
0x9b: {  	s6 =	simm.s32 $_scs_section_size  }
0x9c: {  	s7 =	simm.s32 $_size__tile_overlayer_lowered;
	s8 =	simm.s32 $_tile_overlayer_lowered  }
0x9d: {  	s22 =	simm.s32 $0x1BFF;
	s21 =	sshll.u32 s8, $0x1;
	s5 =	sadd.s32 s6, s19  }
0x9e: {  	s9 =	simm.s32 $0x0;
	s20 =	sshll.u32 s7, $0x1;
	s7 =	sadd.s32 s21, s5  }
0x9f: {  	[timem:s9], [sflag:s22] =	dma.local [hbm:s7], s20  }
0xa0: {  	_ =	swait.ge [sflag:s22], s20  }
0xa1: {  	s6 =	ssub.s32 $0x0, s20;
	[sflag:s22] =	ssyncset.done $0x0  }
0xa2: {  	[sflag:s22] =	ssyncadd.s32 s6;
	_ =	sdelay $0x1  }
0xa3: {  	s23 =	simm.s32 $0x1B8B  }
0xa4: {  	_ =	swait.ge [sflag:s23], $0x1  }
0xa5: {  	[sflag:s23] =	ssyncset.done $0x0  }
0xa6: {  	s25 =	simm.s32 $0x1B8E;
	s24 =	sld [smem:$0x3FFE];
	[sflag:s23] =	ssyncadd.s32 $0xFFFFFFFF  }
0xa7: {  	s26 =	simm.s32 $execute0_lowered;
	[smem:$0x3FD2] =	sst s25  }
0xa8: {  	s7 =	sshll.u32 s26, $0x1;
	_ =	strace $0x80000046;
	[dreg:$0x1] =	wrdreg $0xFFFFFFFF  }
0xa9: {  	s28 =	simm.s32 $_size_execute0_lowered;
	s5 =	sadd.s32 s5, s7;
	[dreg:$0x0] =	wrdreg $0x0  }
0xaa: {  	s7 =	sshll.u32 s28, $0x1;
	[dreg:$0x2] =	wrdreg s5  }
0xab: {  	[dreg:$0x3] =	wrdreg s7  }
0xac: {  	[dreg:$0x4] =	wrdreg $0xC0  }
0xad: {  	_ =	task [dreg:s9], $0x5FFFF  }
0xae: {  	[dreg:$0x1] =	wrdreg $0xFFFFFFFF  }
0xaf: {  	[dreg:$0x0] =	wrdreg $0x60  }
0xb0: {  	[dreg:$0x2] =	wrdreg s2  }
0xb1: {  	[dreg:$0x3] =	wrdreg s18  }
0xb2: {  	[dreg:$0x4] =	wrdreg s24  }
0xb3: {  	[dreg:$0x5] =	wrdreg s4  }
0xb4: {  	[dreg:$0x6] =	wrdreg $0x9  }
0xb5: {  	_ =	task.clear_ibuf [dreg:s9], $0x7FFFF;
	_ =	strace $0x90000046  }
0xb6: {  	s29 =	simm.s32 $0x9;
	_ =	strace $0x80000048  }
0xb7: {  	_ =	swait.ge [sflag:s29], $0x1  }
0xb8: {  	[sflag:s29] =	ssyncadd.s32 $0xFFFFFFFF  }
0xb9: {  	_ =	strace $0x90000048  }
0xba: {  	_ =	sfence  }
0xbb: {  	s30 =	sld [smem:$0x0];
	_ =	sdelay $0x2  }
0xbc: {  	s31 =	sshll.u32 s1, $0xD;
	s1 =	sshrl.u32 s1, $0x2  }
0xbd: {  	s3 =	sand.u32 $0x4000, s31;
	s1 =	sadd.s32 s1, s30  }
0xbe: {  	s0 =	sor.u32 s3, s0;
	s1 =	sshll.u32 s1, $0x11  }
0xbf: {  	s0 =	sor.u32 s1, s0  }
0xc0: {  	s0 =	sadd.s32 $0x8F2B, s0  }
0xc1: {  	[sflag:s0] =	ssyncadd.remote.s32 $0x1  }
0xc2: {  	_ =	sfence.sel $0xFFFF  }
0xc3: {  	[dreg:$0x0] =	wrdreg $0xFFFFFFFF;
	(pc) =	sbr.abs _section_cstart, $3  }
0xc4: {  	[dreg:$0x1] =	wrdreg $0xFFFFFFFF  }
0xc5: {  	_ =	task.clear_ibuf [dreg:s9], $0x2FFFF;
	_ =	strace $0x9FFFFFFF  }
0xc6: {  	(tm) =	ssettm $0x7FFFFFFF  }
0xc7: {  	_ =	shalt  }
tec
execute0_lowered:
.L_overlay_start_1:
0x0: {  	(tag) =	ssettag $0x1  }
0x1: {  	s4 =	rddreg [dreg:$0x0]  }
0x2: {  	s5 =	rddreg [dreg:$0x1]  }
0x3: {  	s17 =	rddreg [dreg:$0x2];
	s1 =	srdreg.scid  }
0x4: {  	s2 =	rddreg [dreg:$0x3];
	s18 =	sand.u32 $0x1, s1;
	s1 =	stileid.u32  }
0x5: {  	s3 =	simm.s32 $0x0;
	s20 =	sshll.u32 s18, $0x6;
	s19 =	sshll.u32 s1, $0x7  }
0x6: {  	[smem:$0x7FF] =	sst s3;
	s6 =	sor.u32 s20, s19  }
0x7: {  	s0 =	rddreg [dreg:$0x4];
	_ =	strace $0x80000047;
	s4 =	sadd.s32 s4, s6  }
0x8: {  	[tilespmem:s3], [sflag:$0x1] =	stream.linear.gather [hbm4b:s4+s3], $0x200, $0x38;
	[tilespmem:$0xC00] =	vst v63  }
0x9: {  	s5 =	sadd.s32 s5, s6;
	s6 =	simm.s32 $0x200  }
0xa: {  	[tilespmem:s6], [sflag:$0x1] =	stream.linear.gather [hbm4b:s5+s3], $0x200, $0x38;
	[tilespmem:$0xC00] =	vst v63  }
0xb: {  	s7 =	simm.s32 $0x600;
	s8 =	simm.s32 $0x1  }
0xc: {  	[tilespmem:s7], [sflag:$0x1] =	stream.linear.gather [hbm4b:s2+s3], $0x400, $0x38;
	[tilespmem:$0xC00] =	vst v63  }
0xd: {  	_ =	swait.ge [sflag:s8], $0x200  }
0xe: {  	[sflag:s8] =	ssyncset.done $0x0  }
0xf: {  	[sflag:s8] =	ssyncadd.s32 $0xFFFFFE00  }
0x10: {  	_ =	swait.ge [sflag:s8], $0x200  }
0x11: {  	[sflag:s8] =	ssyncset.done $0x0  }
0x12: {  	[sflag:s8] =	ssyncadd.s32 $0xFFFFFE00  }
0x13: {  	_ =	swait.ge [sflag:s8], $0x400  }
0x14: {  	s10 =	simm.s32 $0x80;
	[sflag:s8] =	ssyncset.done $0x0  }
0x15: {  	s11 =	simm.s32 $0x400;
	s9 =	sadd.s32 $0x800, s17;
	[sflag:s8] =	ssyncadd.s32 $0xFFFFFC00  }
0x16: {  	[tilespmem:s11], [sflag:$0x1] =	stream.indirect.gather [hbm4b:s9+s10], $0x1, s3, s10, $0xb8;
	[tilespmem:$0xC00] =	vst v63  }
0x17: {  	s12 =	simm.s32 $0x480  }
0x18: {  	[tilespmem:s12], [sflag:$0x1] =	stream.indirect.gather [hbm4b:s9+s10], $0x1, s10, s10, $0xb8;
	[tilespmem:$0xC00] =	vst v63  }
0x19: {  	s13 =	simm.s32 $0x100;
	s14 =	simm.s32 $0x500  }
0x1a: {  	[tilespmem:s14], [sflag:$0x1] =	stream.indirect.gather [hbm4b:s9+s10], $0x1, s13, s10, $0xb8;
	[tilespmem:$0xC00] =	vst v63  }
0x1b: {  	s15 =	simm.s32 $0x180;
	s16 =	simm.s32 $0x580  }
0x1c: {  	[tilespmem:s16], [sflag:$0x1] =	stream.indirect.gather [hbm4b:s9+s10], $0x1, s15, s10, $0xb8;
	[tilespmem:$0xC00] =	vst v63  }
0x1d: {  	_ =	swait.ge [sflag:s8], $0x80  }
0x1e: {  	[sflag:s8] =	ssyncset.done $0x0  }
0x1f: {  	[sflag:s8] =	ssyncadd.s32 $0xFFFFFF80  }
0x20: {  	_ =	swait.ge [sflag:s8], $0x80  }
0x21: {  	[sflag:s8] =	ssyncset.done $0x0  }
0x22: {  	[sflag:s8] =	ssyncadd.s32 $0xFFFFFF80  }
0x23: {  	_ =	swait.ge [sflag:s8], $0x80  }
0x24: {  	[sflag:s8] =	ssyncset.done $0x0  }
0x25: {  	[sflag:s8] =	ssyncadd.s32 $0xFFFFFF80  }
0x26: {  	_ =	swait.ge [sflag:s8], $0x80  }
0x27: {  	[sflag:s8] =	ssyncset.done $0x0  }
0x28: {  	[sflag:s8] =	ssyncadd.s32 $0xFFFFFF80  }
0x29: {  	v0 =	vld [tilespmem:$0x200];
	_ =	sdelay $0x5  }
0x2a: {  	v1 =	vld [tilespmem:$0x210]  }
0x2b: {  	v2 =	vld [tilespmem:$0x400]  }
0x2c: {  	v0 =	vld.idx.msk [tilespmem:v0+s7+$0x0], $0xffff;
	_ =	sdelay $0x4  }
0x2d: {  	v0 =	vadd.f32 v2, v0  }
0x2e: {  	v63 =	vld [tilespmem:$0x220]  }
0x2f: {  	v4 =	vld [tilespmem:$0x410];
	[tilespmem:$0xA00] =	vst v0  }
0x30: {  	v1 =	vld.idx.msk [tilespmem:v1+s7+$0x0], $0xffff;
	_ =	sdelay $0x4  }
0x31: {  	v1 =	vadd.f32 v4, v1  }
0x32: {  	v5 =	vld [tilespmem:$0x230]  }
0x33: {  	v6 =	vld [tilespmem:$0x420];
	[tilespmem:$0xA10] =	vst v1  }
0x34: {  	v0 =	vld.idx.msk [tilespmem:v63+s7+$0x0], $0xffff;
	_ =	sdelay $0x4  }
0x35: {  	v0 =	vadd.f32 v6, v0  }
0x36: {  	v7 =	vld [tilespmem:$0x240]  }
0x37: {  	v8 =	vld [tilespmem:$0x430];
	[tilespmem:$0xA20] =	vst v0  }
0x38: {  	v1 =	vld.idx.msk [tilespmem:v5+s7+$0x0], $0xffff;
	_ =	sdelay $0x4  }
0x39: {  	v1 =	vadd.f32 v8, v1  }
0x3a: {  	v9 =	vld [tilespmem:$0x250]  }
0x3b: {  	v10 =	vld [tilespmem:$0x440];
	[tilespmem:$0xA30] =	vst v1  }
0x3c: {  	v0 =	vld.idx.msk [tilespmem:v7+s7+$0x0], $0xffff;
	_ =	sdelay $0x4  }
0x3d: {  	v0 =	vadd.f32 v10, v0  }
0x3e: {  	v11 =	vld [tilespmem:$0x260]  }
0x3f: {  	v12 =	vld [tilespmem:$0x450];
	[tilespmem:$0xA40] =	vst v0  }
0x40: {  	v1 =	vld.idx.msk [tilespmem:v9+s7+$0x0], $0xffff;
	_ =	sdelay $0x4  }
0x41: {  	v1 =	vadd.f32 v12, v1  }
0x42: {  	v13 =	vld [tilespmem:$0x270]  }
0x43: {  	v14 =	vld [tilespmem:$0x460];
	[tilespmem:$0xA50] =	vst v1  }
0x44: {  	v0 =	vld.idx.msk [tilespmem:v11+s7+$0x0], $0xffff;
	_ =	sdelay $0x4  }
0x45: {  	v0 =	vadd.f32 v14, v0  }
0x46: {  	v15 =	vld [tilespmem:$0x280]  }
0x47: {  	v16 =	vld [tilespmem:$0x470];
	[tilespmem:$0xA60] =	vst v0  }
0x48: {  	v1 =	vld.idx.msk [tilespmem:v13+s7+$0x0], $0xffff;
	_ =	sdelay $0x4  }
0x49: {  	v1 =	vadd.f32 v16, v1  }
0x4a: {  	v17 =	vld [tilespmem:$0x290]  }
0x4b: {  	v18 =	vld [tilespmem:$0x480];
	[tilespmem:$0xA70] =	vst v1  }
0x4c: {  	v0 =	vld.idx.msk [tilespmem:v15+s7+$0x0], $0xffff;
	_ =	sdelay $0x4  }
0x4d: {  	v0 =	vadd.f32 v18, v0  }
0x4e: {  	v19 =	vld [tilespmem:$0x2A0]  }
0x4f: {  	v20 =	vld [tilespmem:$0x490];
	[tilespmem:$0xA80] =	vst v0  }
0x50: {  	v1 =	vld.idx.msk [tilespmem:v17+s7+$0x0], $0xffff;
	_ =	sdelay $0x4  }
0x51: {  	v1 =	vadd.f32 v20, v1  }
0x52: {  	v21 =	vld [tilespmem:$0x2B0]  }
0x53: {  	v22 =	vld [tilespmem:$0x4A0];
	[tilespmem:$0xA90] =	vst v1  }
0x54: {  	v0 =	vld.idx.msk [tilespmem:v19+s7+$0x0], $0xffff;
	_ =	sdelay $0x4  }
0x55: {  	v0 =	vadd.f32 v22, v0  }
0x56: {  	v23 =	vld [tilespmem:$0x2C0]  }
0x57: {  	v24 =	vld [tilespmem:$0x4B0];
	[tilespmem:$0xAA0] =	vst v0  }
0x58: {  	v1 =	vld.idx.msk [tilespmem:v21+s7+$0x0], $0xffff;
	_ =	sdelay $0x4  }
0x59: {  	v1 =	vadd.f32 v24, v1  }
0x5a: {  	v25 =	vld [tilespmem:$0x2D0]  }
0x5b: {  	v26 =	vld [tilespmem:$0x4C0];
	[tilespmem:$0xAB0] =	vst v1  }
0x5c: {  	v0 =	vld.idx.msk [tilespmem:v23+s7+$0x0], $0xffff;
	_ =	sdelay $0x4  }
0x5d: {  	v0 =	vadd.f32 v26, v0  }
0x5e: {  	v27 =	vld [tilespmem:$0x2E0]  }
0x5f: {  	v28 =	vld [tilespmem:$0x4D0];
	[tilespmem:$0xAC0] =	vst v0  }
0x60: {  	v1 =	vld.idx.msk [tilespmem:v25+s7+$0x0], $0xffff;
	_ =	sdelay $0x4  }
0x61: {  	v1 =	vadd.f32 v28, v1  }
0x62: {  	v29 =	vld [tilespmem:$0x2F0]  }
0x63: {  	v30 =	vld [tilespmem:$0x4E0];
	[tilespmem:$0xAD0] =	vst v1  }
0x64: {  	v0 =	vld.idx.msk [tilespmem:v27+s7+$0x0], $0xffff;
	_ =	sdelay $0x4  }
0x65: {  	v0 =	vadd.f32 v30, v0  }
0x66: {  	v31 =	vld [tilespmem:$0x300]  }
0x67: {  	v32 =	vld [tilespmem:$0x4F0];
	[tilespmem:$0xAE0] =	vst v0  }
0x68: {  	v1 =	vld.idx.msk [tilespmem:v29+s7+$0x0], $0xffff;
	_ =	sdelay $0x4  }
0x69: {  	v1 =	vadd.f32 v32, v1  }
0x6a: {  	v33 =	vld [tilespmem:$0x310]  }
0x6b: {  	v34 =	vld [tilespmem:$0x500];
	[tilespmem:$0xAF0] =	vst v1  }
0x6c: {  	v0 =	vld.idx.msk [tilespmem:v31+s7+$0x0], $0xffff;
	_ =	sdelay $0x4  }
0x6d: {  	v0 =	vadd.f32 v34, v0  }
0x6e: {  	v35 =	vld [tilespmem:$0x320]  }
0x6f: {  	v36 =	vld [tilespmem:$0x510];
	[tilespmem:$0xB00] =	vst v0  }
0x70: {  	v1 =	vld.idx.msk [tilespmem:v33+s7+$0x0], $0xffff;
	_ =	sdelay $0x4  }
0x71: {  	v1 =	vadd.f32 v36, v1  }
0x72: {  	v37 =	vld [tilespmem:$0x330]  }
0x73: {  	v38 =	vld [tilespmem:$0x520];
	[tilespmem:$0xB10] =	vst v1  }
0x74: {  	v0 =	vld.idx.msk [tilespmem:v35+s7+$0x0], $0xffff;
	_ =	sdelay $0x4  }
0x75: {  	v0 =	vadd.f32 v38, v0  }
0x76: {  	v39 =	vld [tilespmem:$0x340]  }
0x77: {  	v40 =	vld [tilespmem:$0x530];
	[tilespmem:$0xB20] =	vst v0  }
0x78: {  	v1 =	vld.idx.msk [tilespmem:v37+s7+$0x0], $0xffff;
	_ =	sdelay $0x4  }
0x79: {  	v1 =	vadd.f32 v40, v1  }
0x7a: {  	v41 =	vld [tilespmem:$0x350]  }
0x7b: {  	v42 =	vld [tilespmem:$0x540];
	[tilespmem:$0xB30] =	vst v1  }
0x7c: {  	v0 =	vld.idx.msk [tilespmem:v39+s7+$0x0], $0xffff;
	_ =	sdelay $0x4  }
0x7d: {  	v0 =	vadd.f32 v42, v0  }
0x7e: {  	v43 =	vld [tilespmem:$0x360]  }
0x7f: {  	v44 =	vld [tilespmem:$0x550];
	[tilespmem:$0xB40] =	vst v0  }
0x80: {  	v1 =	vld.idx.msk [tilespmem:v41+s7+$0x0], $0xffff;
	_ =	sdelay $0x4  }
0x81: {  	v1 =	vadd.f32 v44, v1  }
0x82: {  	v45 =	vld [tilespmem:$0x370]  }
0x83: {  	v46 =	vld [tilespmem:$0x560];
	[tilespmem:$0xB50] =	vst v1  }
0x84: {  	v0 =	vld.idx.msk [tilespmem:v43+s7+$0x0], $0xffff;
	_ =	sdelay $0x4  }
0x85: {  	v0 =	vadd.f32 v46, v0  }
0x86: {  	v47 =	vld [tilespmem:$0x380]  }
0x87: {  	v48 =	vld [tilespmem:$0x570];
	[tilespmem:$0xB60] =	vst v0  }
0x88: {  	v1 =	vld.idx.msk [tilespmem:v45+s7+$0x0], $0xffff;
	_ =	sdelay $0x4  }
0x89: {  	v1 =	vadd.f32 v48, v1  }
0x8a: {  	v49 =	vld [tilespmem:$0x390]  }
0x8b: {  	v50 =	vld [tilespmem:$0x580];
	[tilespmem:$0xB70] =	vst v1  }
0x8c: {  	v0 =	vld.idx.msk [tilespmem:v47+s7+$0x0], $0xffff;
	_ =	sdelay $0x4  }
0x8d: {  	v0 =	vadd.f32 v50, v0  }
0x8e: {  	v51 =	vld [tilespmem:$0x3A0]  }
0x8f: {  	v52 =	vld [tilespmem:$0x590];
	[tilespmem:$0xB80] =	vst v0  }
0x90: {  	v1 =	vld.idx.msk [tilespmem:v49+s7+$0x0], $0xffff;
	_ =	sdelay $0x4  }
0x91: {  	v1 =	vadd.f32 v52, v1  }
0x92: {  	v53 =	vld [tilespmem:$0x3B0]  }
0x93: {  	v54 =	vld [tilespmem:$0x5A0];
	[tilespmem:$0xB90] =	vst v1  }
0x94: {  	v0 =	vld.idx.msk [tilespmem:v51+s7+$0x0], $0xffff;
	_ =	sdelay $0x4  }
0x95: {  	v0 =	vadd.f32 v54, v0  }
0x96: {  	v55 =	vld [tilespmem:$0x3C0]  }
0x97: {  	v56 =	vld [tilespmem:$0x5B0];
	[tilespmem:$0xBA0] =	vst v0  }
0x98: {  	v1 =	vld.idx.msk [tilespmem:v53+s7+$0x0], $0xffff;
	_ =	sdelay $0x4  }
0x99: {  	v1 =	vadd.f32 v56, v1  }
0x9a: {  	v57 =	vld [tilespmem:$0x3D0]  }
0x9b: {  	v58 =	vld [tilespmem:$0x5C0];
	[tilespmem:$0xBB0] =	vst v1  }
0x9c: {  	v0 =	vld.idx.msk [tilespmem:v55+s7+$0x0], $0xffff;
	_ =	sdelay $0x4  }
0x9d: {  	v0 =	vadd.f32 v58, v0  }
0x9e: {  	v59 =	vld [tilespmem:$0x3E0]  }
0x9f: {  	v60 =	vld [tilespmem:$0x5D0];
	[tilespmem:$0xBC0] =	vst v0  }
0xa0: {  	v1 =	vld.idx.msk [tilespmem:v57+s7+$0x0], $0xffff;
	_ =	sdelay $0x4  }
0xa1: {  	v1 =	vadd.f32 v60, v1  }
0xa2: {  	v61 =	vld [tilespmem:$0x3F0]  }
0xa3: {  	v62 =	vld [tilespmem:$0x5E0];
	[tilespmem:$0xBD0] =	vst v1  }
0xa4: {  	v0 =	vld.idx.msk [tilespmem:v59+s7+$0x0], $0xffff;
	_ =	sdelay $0x4  }
0xa5: {  	v0 =	vadd.f32 v62, v0;
	_ =	sdelay $0x1  }
0xa6: {  	v63 =	vld [tilespmem:$0x5F0];
	[tilespmem:$0xBE0] =	vst v0  }
0xa7: {  	v0 =	vld.idx.msk [tilespmem:v61+s7+$0x0], $0xffff  }
0xa8: {  	s18 =	ssub.s32 $0x2, s18  }
0xa9: {  	s31 =	sshrl.u32 s18, $0x1  }
0xaa: {  	s18 =	ssub.s32 s18, s31  }
0xab: {  	s17 =	sadd.s32 s20, s17;
	s20 =	smax.u32 s18, $0x1  }
0xac: {  	p0 =	sne.s32 s20, $0x1;
	v0 =	vadd.f32 v63, v0  }
.Ltmp0:
0xad: {  	s17 =	sadd.s32 s19, s17;
	(pc) =	sbr.rel @!p0 .LBB2_2-.Ltmp0, $4  }
0xae: {  	s19 =	simm.s32 $0xA00;
	s17 =	sadd.s32 $0x3A00, s17;
	s18 =	simm.s32 $0x2;
	[tilespmem:$0xBF0] =	vst v0  }
0xaf: {  	[hbm4b:s17+s3] =	stream.linear.scatter [tilespmem:s19], [sflag:$0x2], $0x200, $0x38;
	[tilespmem:$0xC00] =	vst v63  }
0xb0: {  	_ =	swait.ge [sflag:s18], $0x200  }
0xb1: {  	s20 =	sadd.s32 $0xFFFFFFFF, s20;
	[sflag:s18] =	ssyncset.done $0x0  }
.LBB2_1:
0xb2: {  	p0 =	sne.s32 s20, $0x1;
	s20 =	sadd.s32 $0xFFFFFFFF, s20;
	[sflag:s18] =	ssyncadd.s32 $0xFFFFFE00  }
0xb3: {  	[tilespmem:s3], [sflag:$0x1] =	stream.linear.gather [hbm4b:s4+s3], $0x200, $0x38;
	[tilespmem:$0xC00] =	vst v63  }
0xb4: {  	_ = 	snop  }
0xb5: {  	[tilespmem:s6], [sflag:$0x1] =	stream.linear.gather [hbm4b:s5+s3], $0x200, $0x38;
	[tilespmem:$0xC00] =	vst v63  }
0xb6: {  	_ = 	snop  }
0xb7: {  	[tilespmem:s7], [sflag:$0x1] =	stream.linear.gather [hbm4b:s2+s3], $0x400, $0x38;
	[tilespmem:$0xC00] =	vst v63  }
0xb8: {  	_ =	swait.ge [sflag:s8], $0x200  }
0xb9: {  	[sflag:s8] =	ssyncset.done $0x0  }
0xba: {  	[sflag:s8] =	ssyncadd.s32 $0xFFFFFE00  }
0xbb: {  	_ =	swait.ge [sflag:s8], $0x200  }
0xbc: {  	[sflag:s8] =	ssyncset.done $0x0  }
0xbd: {  	[sflag:s8] =	ssyncadd.s32 $0xFFFFFE00  }
0xbe: {  	_ =	swait.ge [sflag:s8], $0x400  }
0xbf: {  	[sflag:s8] =	ssyncset.done $0x0  }
0xc0: {  	[sflag:s8] =	ssyncadd.s32 $0xFFFFFC00  }
0xc1: {  	[tilespmem:s11], [sflag:$0x1] =	stream.indirect.gather [hbm4b:s9+s10], $0x1, s3, s10, $0xb8;
	[tilespmem:$0xC00] =	vst v63  }
0xc2: {  	_ = 	snop  }
0xc3: {  	[tilespmem:s12], [sflag:$0x1] =	stream.indirect.gather [hbm4b:s9+s10], $0x1, s10, s10, $0xb8;
	[tilespmem:$0xC00] =	vst v63  }
0xc4: {  	_ = 	snop  }
0xc5: {  	[tilespmem:s14], [sflag:$0x1] =	stream.indirect.gather [hbm4b:s9+s10], $0x1, s13, s10, $0xb8;
	[tilespmem:$0xC00] =	vst v63  }
0xc6: {  	_ = 	snop  }
0xc7: {  	[tilespmem:s16], [sflag:$0x1] =	stream.indirect.gather [hbm4b:s9+s10], $0x1, s15, s10, $0xb8;
	[tilespmem:$0xC00] =	vst v63  }
0xc8: {  	_ =	swait.ge [sflag:s8], $0x80  }
0xc9: {  	[sflag:s8] =	ssyncset.done $0x0  }
0xca: {  	[sflag:s8] =	ssyncadd.s32 $0xFFFFFF80  }
0xcb: {  	_ =	swait.ge [sflag:s8], $0x80  }
0xcc: {  	[sflag:s8] =	ssyncset.done $0x0  }
0xcd: {  	[sflag:s8] =	ssyncadd.s32 $0xFFFFFF80  }
0xce: {  	_ =	swait.ge [sflag:s8], $0x80  }
0xcf: {  	[sflag:s8] =	ssyncset.done $0x0  }
0xd0: {  	[sflag:s8] =	ssyncadd.s32 $0xFFFFFF80  }
0xd1: {  	_ =	swait.ge [sflag:s8], $0x80  }
0xd2: {  	[sflag:s8] =	ssyncset.done $0x0  }
0xd3: {  	[sflag:s8] =	ssyncadd.s32 $0xFFFFFF80  }
0xd4: {  	v0 =	vld [tilespmem:$0x200];
	_ =	sdelay $0x6  }
0xd5: {  	v1 =	vld [tilespmem:$0x210]  }
0xd6: {  	v0 =	vld.idx.msk [tilespmem:v0+s7+$0x0], $0xffff  }
0xd7: {  	v2 =	vld [tilespmem:$0x400];
	_ =	sdelay $0x4  }
0xd8: {  	v0 =	vadd.f32 v2, v0;
	_ =	sdelay $0x1  }
0xd9: {  	[tilespmem:$0xA00] =	vst v0;
	v0 =	vld [tilespmem:$0x220]  }
0xda: {  	v1 =	vld.idx.msk [tilespmem:v1+s7+$0x0], $0xffff  }
0xdb: {  	v2 =	vld [tilespmem:$0x410];
	_ =	sdelay $0x4  }
0xdc: {  	v1 =	vadd.f32 v2, v1;
	_ =	sdelay $0x1  }
0xdd: {  	[tilespmem:$0xA10] =	vst v1;
	v1 =	vld [tilespmem:$0x230]  }
0xde: {  	v0 =	vld.idx.msk [tilespmem:v0+s7+$0x0], $0xffff  }
0xdf: {  	v2 =	vld [tilespmem:$0x420];
	_ =	sdelay $0x4  }
0xe0: {  	v0 =	vadd.f32 v2, v0;
	_ =	sdelay $0x1  }
0xe1: {  	[tilespmem:$0xA20] =	vst v0;
	v0 =	vld [tilespmem:$0x240]  }
0xe2: {  	v1 =	vld.idx.msk [tilespmem:v1+s7+$0x0], $0xffff  }
0xe3: {  	v2 =	vld [tilespmem:$0x430];
	_ =	sdelay $0x4  }
0xe4: {  	v1 =	vadd.f32 v2, v1;
	_ =	sdelay $0x1  }
0xe5: {  	[tilespmem:$0xA30] =	vst v1;
	v1 =	vld [tilespmem:$0x250]  }
0xe6: {  	v0 =	vld.idx.msk [tilespmem:v0+s7+$0x0], $0xffff  }
0xe7: {  	v2 =	vld [tilespmem:$0x440];
	_ =	sdelay $0x4  }
0xe8: {  	v0 =	vadd.f32 v2, v0;
	_ =	sdelay $0x1  }
0xe9: {  	[tilespmem:$0xA40] =	vst v0;
	v0 =	vld [tilespmem:$0x260]  }
0xea: {  	v1 =	vld.idx.msk [tilespmem:v1+s7+$0x0], $0xffff  }
0xeb: {  	v2 =	vld [tilespmem:$0x450];
	_ =	sdelay $0x4  }
0xec: {  	v1 =	vadd.f32 v2, v1;
	_ =	sdelay $0x1  }
0xed: {  	[tilespmem:$0xA50] =	vst v1;
	v1 =	vld [tilespmem:$0x270]  }
0xee: {  	v0 =	vld.idx.msk [tilespmem:v0+s7+$0x0], $0xffff  }
0xef: {  	v2 =	vld [tilespmem:$0x460];
	_ =	sdelay $0x4  }
0xf0: {  	v0 =	vadd.f32 v2, v0;
	_ =	sdelay $0x1  }
0xf1: {  	[tilespmem:$0xA60] =	vst v0;
	v0 =	vld [tilespmem:$0x280]  }
0xf2: {  	v1 =	vld.idx.msk [tilespmem:v1+s7+$0x0], $0xffff  }
0xf3: {  	v2 =	vld [tilespmem:$0x470];
	_ =	sdelay $0x4  }
0xf4: {  	v1 =	vadd.f32 v2, v1;
	_ =	sdelay $0x1  }
0xf5: {  	[tilespmem:$0xA70] =	vst v1;
	v1 =	vld [tilespmem:$0x290]  }
0xf6: {  	v0 =	vld.idx.msk [tilespmem:v0+s7+$0x0], $0xffff  }
0xf7: {  	v2 =	vld [tilespmem:$0x480];
	_ =	sdelay $0x4  }
0xf8: {  	v0 =	vadd.f32 v2, v0;
	_ =	sdelay $0x1  }
0xf9: {  	[tilespmem:$0xA80] =	vst v0;
	v0 =	vld [tilespmem:$0x2A0]  }
0xfa: {  	v1 =	vld.idx.msk [tilespmem:v1+s7+$0x0], $0xffff  }
0xfb: {  	v2 =	vld [tilespmem:$0x490];
	_ =	sdelay $0x4  }
0xfc: {  	v1 =	vadd.f32 v2, v1;
	_ =	sdelay $0x1  }
0xfd: {  	[tilespmem:$0xA90] =	vst v1;
	v1 =	vld [tilespmem:$0x2B0]  }
0xfe: {  	v0 =	vld.idx.msk [tilespmem:v0+s7+$0x0], $0xffff  }
0xff: {  	v2 =	vld [tilespmem:$0x4A0];
	_ =	sdelay $0x4  }
0x100: {  	v0 =	vadd.f32 v2, v0;
	_ =	sdelay $0x1  }
0x101: {  	[tilespmem:$0xAA0] =	vst v0;
	v0 =	vld [tilespmem:$0x2C0]  }
0x102: {  	v1 =	vld.idx.msk [tilespmem:v1+s7+$0x0], $0xffff  }
0x103: {  	v2 =	vld [tilespmem:$0x4B0];
	_ =	sdelay $0x4  }
0x104: {  	v1 =	vadd.f32 v2, v1;
	_ =	sdelay $0x1  }
0x105: {  	[tilespmem:$0xAB0] =	vst v1;
	v1 =	vld [tilespmem:$0x2D0]  }
0x106: {  	v0 =	vld.idx.msk [tilespmem:v0+s7+$0x0], $0xffff  }
0x107: {  	v2 =	vld [tilespmem:$0x4C0];
	_ =	sdelay $0x4  }
0x108: {  	v0 =	vadd.f32 v2, v0;
	_ =	sdelay $0x1  }
0x109: {  	[tilespmem:$0xAC0] =	vst v0;
	v0 =	vld [tilespmem:$0x2E0]  }
0x10a: {  	v1 =	vld.idx.msk [tilespmem:v1+s7+$0x0], $0xffff  }
0x10b: {  	v2 =	vld [tilespmem:$0x4D0];
	_ =	sdelay $0x4  }
0x10c: {  	v1 =	vadd.f32 v2, v1;
	_ =	sdelay $0x1  }
0x10d: {  	[tilespmem:$0xAD0] =	vst v1;
	v1 =	vld [tilespmem:$0x2F0]  }
0x10e: {  	v0 =	vld.idx.msk [tilespmem:v0+s7+$0x0], $0xffff  }
0x10f: {  	v2 =	vld [tilespmem:$0x4E0];
	_ =	sdelay $0x4  }
0x110: {  	v0 =	vadd.f32 v2, v0;
	_ =	sdelay $0x1  }
0x111: {  	[tilespmem:$0xAE0] =	vst v0;
	v0 =	vld [tilespmem:$0x300]  }
0x112: {  	v1 =	vld.idx.msk [tilespmem:v1+s7+$0x0], $0xffff  }
0x113: {  	v2 =	vld [tilespmem:$0x4F0];
	_ =	sdelay $0x4  }
0x114: {  	v1 =	vadd.f32 v2, v1;
	_ =	sdelay $0x1  }
0x115: {  	[tilespmem:$0xAF0] =	vst v1;
	v1 =	vld [tilespmem:$0x310]  }
0x116: {  	v0 =	vld.idx.msk [tilespmem:v0+s7+$0x0], $0xffff  }
0x117: {  	v2 =	vld [tilespmem:$0x500];
	_ =	sdelay $0x4  }
0x118: {  	v0 =	vadd.f32 v2, v0;
	_ =	sdelay $0x1  }
0x119: {  	[tilespmem:$0xB00] =	vst v0;
	v0 =	vld [tilespmem:$0x320]  }
0x11a: {  	v1 =	vld.idx.msk [tilespmem:v1+s7+$0x0], $0xffff  }
0x11b: {  	v2 =	vld [tilespmem:$0x510];
	_ =	sdelay $0x4  }
0x11c: {  	v1 =	vadd.f32 v2, v1;
	_ =	sdelay $0x1  }
0x11d: {  	[tilespmem:$0xB10] =	vst v1;
	v1 =	vld [tilespmem:$0x330]  }
0x11e: {  	v0 =	vld.idx.msk [tilespmem:v0+s7+$0x0], $0xffff  }
0x11f: {  	v2 =	vld [tilespmem:$0x520];
	_ =	sdelay $0x4  }
0x120: {  	v0 =	vadd.f32 v2, v0;
	_ =	sdelay $0x1  }
0x121: {  	[tilespmem:$0xB20] =	vst v0;
	v0 =	vld [tilespmem:$0x340]  }
0x122: {  	v1 =	vld.idx.msk [tilespmem:v1+s7+$0x0], $0xffff  }
0x123: {  	v2 =	vld [tilespmem:$0x530];
	_ =	sdelay $0x4  }
0x124: {  	v1 =	vadd.f32 v2, v1;
	_ =	sdelay $0x1  }
0x125: {  	[tilespmem:$0xB30] =	vst v1;
	v1 =	vld [tilespmem:$0x350]  }
0x126: {  	v0 =	vld.idx.msk [tilespmem:v0+s7+$0x0], $0xffff  }
0x127: {  	v2 =	vld [tilespmem:$0x540];
	_ =	sdelay $0x4  }
0x128: {  	v0 =	vadd.f32 v2, v0;
	_ =	sdelay $0x1  }
0x129: {  	[tilespmem:$0xB40] =	vst v0;
	v0 =	vld [tilespmem:$0x360]  }
0x12a: {  	v1 =	vld.idx.msk [tilespmem:v1+s7+$0x0], $0xffff  }
0x12b: {  	v2 =	vld [tilespmem:$0x550];
	_ =	sdelay $0x4  }
0x12c: {  	v1 =	vadd.f32 v2, v1;
	_ =	sdelay $0x1  }
0x12d: {  	[tilespmem:$0xB50] =	vst v1;
	v1 =	vld [tilespmem:$0x370]  }
0x12e: {  	v0 =	vld.idx.msk [tilespmem:v0+s7+$0x0], $0xffff  }
0x12f: {  	v2 =	vld [tilespmem:$0x560];
	_ =	sdelay $0x4  }
0x130: {  	v0 =	vadd.f32 v2, v0;
	_ =	sdelay $0x1  }
0x131: {  	[tilespmem:$0xB60] =	vst v0;
	v0 =	vld [tilespmem:$0x380]  }
0x132: {  	v1 =	vld.idx.msk [tilespmem:v1+s7+$0x0], $0xffff  }
0x133: {  	v2 =	vld [tilespmem:$0x570];
	_ =	sdelay $0x4  }
0x134: {  	v1 =	vadd.f32 v2, v1;
	_ =	sdelay $0x1  }
0x135: {  	[tilespmem:$0xB70] =	vst v1;
	v1 =	vld [tilespmem:$0x390]  }
0x136: {  	v0 =	vld.idx.msk [tilespmem:v0+s7+$0x0], $0xffff  }
0x137: {  	v2 =	vld [tilespmem:$0x580];
	_ =	sdelay $0x4  }
0x138: {  	v0 =	vadd.f32 v2, v0;
	_ =	sdelay $0x1  }
0x139: {  	[tilespmem:$0xB80] =	vst v0;
	v0 =	vld [tilespmem:$0x3A0]  }
0x13a: {  	v1 =	vld.idx.msk [tilespmem:v1+s7+$0x0], $0xffff  }
0x13b: {  	v2 =	vld [tilespmem:$0x590];
	_ =	sdelay $0x4  }
0x13c: {  	v1 =	vadd.f32 v2, v1;
	_ =	sdelay $0x1  }
0x13d: {  	[tilespmem:$0xB90] =	vst v1;
	v1 =	vld [tilespmem:$0x3B0]  }
0x13e: {  	v0 =	vld.idx.msk [tilespmem:v0+s7+$0x0], $0xffff  }
0x13f: {  	v2 =	vld [tilespmem:$0x5A0];
	_ =	sdelay $0x4  }
0x140: {  	v0 =	vadd.f32 v2, v0;
	_ =	sdelay $0x1  }
0x141: {  	[tilespmem:$0xBA0] =	vst v0;
	v0 =	vld [tilespmem:$0x3C0]  }
0x142: {  	v1 =	vld.idx.msk [tilespmem:v1+s7+$0x0], $0xffff  }
0x143: {  	v2 =	vld [tilespmem:$0x5B0];
	_ =	sdelay $0x4  }
0x144: {  	v1 =	vadd.f32 v2, v1;
	_ =	sdelay $0x1  }
0x145: {  	[tilespmem:$0xBB0] =	vst v1;
	v1 =	vld [tilespmem:$0x3D0]  }
0x146: {  	v0 =	vld.idx.msk [tilespmem:v0+s7+$0x0], $0xffff  }
0x147: {  	v2 =	vld [tilespmem:$0x5C0];
	_ =	sdelay $0x4  }
0x148: {  	v0 =	vadd.f32 v2, v0;
	_ =	sdelay $0x1  }
0x149: {  	[tilespmem:$0xBC0] =	vst v0;
	v0 =	vld [tilespmem:$0x3E0]  }
0x14a: {  	v1 =	vld.idx.msk [tilespmem:v1+s7+$0x0], $0xffff  }
0x14b: {  	v2 =	vld [tilespmem:$0x5D0];
	_ =	sdelay $0x4  }
0x14c: {  	v1 =	vadd.f32 v2, v1;
	_ =	sdelay $0x1  }
0x14d: {  	[tilespmem:$0xBD0] =	vst v1;
	v1 =	vld [tilespmem:$0x3F0]  }
0x14e: {  	v0 =	vld.idx.msk [tilespmem:v0+s7+$0x0], $0xffff  }
0x14f: {  	v2 =	vld [tilespmem:$0x5E0];
	_ =	sdelay $0x4  }
0x150: {  	v0 =	vadd.f32 v2, v0;
	_ =	sdelay $0x1  }
0x151: {  	[tilespmem:$0xBE0] =	vst v0  }
0x152: {  	v0 =	vld.idx.msk [tilespmem:v1+s7+$0x0], $0xffff  }
0x153: {  	v1 =	vld [tilespmem:$0x5F0];
	_ =	sdelay $0x4  }
0x154: {  	v0 =	vadd.f32 v1, v0  }
.Ltmp1:
0x155: {  	(pc) =	sbr.rel @p0 .LBB2_1-.Ltmp1, $4  }
0x156: {  	[tilespmem:$0xBF0] =	vst v0  }
0x157: {  	[hbm4b:s17+s3] =	stream.linear.scatter [tilespmem:s19], [sflag:$0x2], $0x200, $0x38;
	[tilespmem:$0xC00] =	vst v63  }
0x158: {  	_ =	swait.ge [sflag:s18], $0x200  }
0x159: {  	[sflag:s18] =	ssyncset.done $0x0  }
.LBB2_2:
0x15a: {  	[sflag:s18] =	ssyncadd.s32 $0xFFFFFE00  }
0x15b: {  	_ =	sfence.sel $0x180000  }
0x15c: {  	[bflag:$0x0] =	sbarrier.arrive $0xFFFF  }
0x15d: {  	p0 =	sne.s32 s1, $0x0;
	_ =	strace $0x90000047  }
0x15e: {  	s0 =	sadd.s32 @!p0 $0x100000, s0;
	[bflag:$0x2] =	sbarrier.arrive $0xFFFF  }
0x15f: {  	[sflag:s0] =	ssyncadd.tile.s32 @!p0 $0x1;
	_ =	shalt  }
.Lfunc_end2:
_tile_overlayer_lowered:
.L_overlay_start_2:
0x160: {  	(tag) =	ssettag $0x2  }
0x161: {  	s0 =	rddreg [dreg:$0x0];
	s2 =	stileid.u32  }
0x162: {  	s1 =	rddreg [dreg:$0x1];
	p0 =	sne.s32 s2, $0x0  }
0x163: {  	s3 =	rddreg [dreg:$0x2];
	[bflag:$0x3] =	sbarrier.arrive $0xFFFF;
	s2 =	simm.s32 @!p0 $0x1C02  }
0x164: {  	[timem:s3], [sflag:s2] =	dma.local @!p0 [hbm:s0], s1  }
0x165: {  	s0 =	simm.s32 @!p0 $0x2  }
0x166: {  	_ =	swait.ge @!p0 [sflag:s0], s1  }
0x167: {  	s1 =	ssub.s32 @!p0 $0x0, s1;
	[sflag:s0] =	ssyncset.done @!p0 $0x0  }
0x168: {  	[sflag:s0] =	ssyncadd.s32 @!p0 s1  }
0x169: {  	[bflag:$0x3] =	sbarrier.arrive $0xFFFF  }
0x16a: {  	_ =	shalt  }

// kernel: kernel.7.cloned.1.call-start
scs
__scs_entry_jumppad:
0x0: {  	(pc) =	sbr.rel $0x88, $3  }
0x1: {  	(tag) =	ssettag $0x0;
	lr =	simm.s32 $0x1  }
0x2: {  	[smem:$0x3F9B] =	sst lr;
	_ =	strace $0xD0000000  }
0x3: {  	_ = 	snop  }
0x4: {  	_ = 	snop  }
0x5: {  	_ = 	snop  }
0x6: {  	_ = 	snop  }
0x7: {  	_ = 	snop  }
__scs_overlays_trampoline_lowered:
0x8: {  	[smem:$0x3FAA] =	sst s0  }
0x9: {  	[smem:$0x3FAB] =	sst s1  }
0xa: {  	[smem:$0x3FAC] =	sst s2  }
0xb: {  	[smem:$0x3FAD] =	sst s3  }
0xc: {  	[smem:$0x3FAE] =	sst s4  }
0xd: {  	[smem:$0x3FAF] =	sst s5  }
0xe: {  	[smem:$0x3FB0] =	sst s6  }
0xf: {  	[smem:$0x3FB1] =	sst s7  }
0x10: {  	[smem:$0x3FB2] =	sst s8  }
0x11: {  	[smem:$0x3FB3] =	sst s9;
	s0 =	simm.s32 @!p0 $0x0  }
0x12: {  	s1 =	sld [smem:$0x3F99];
	s0 =	simm.s32 @p0 $0x1  }
0x13: {  	[smem:$0x3FB4] =	sst s0;
	s0 =	simm.s32 @!p1 $0x0  }
0x14: {  	s2 =	sld [smem:$0x3F98];
	s0 =	simm.s32 @p1 $0x1  }
0x15: {  	[smem:$0x3FB5] =	sst s0;
	s0 =	simm.s32 @!p2 $0x0  }
0x16: {  	s3 =	sld [smem:$0x3FDB];
	s0 =	simm.s32 @p2 $0x1  }
0x17: {  	s4 =	simm.s32 $0x1BF5;
	[smem:$0x3FB7] =	sst s0  }
0x18: {  	s0 =	sld [smem:$0x3F9A];
	_ =	swait.ge [sflag:s4], $0x0  }
0x19: {  	s7 =	sld [smem:$0x3F9B]  }
0x1a: {  	s8 =	sadd.s32 $0xFFFFE003, lr  }
0x1b: {  	s9 =	sadd.s32 $0xFFFFFEF7, lr;
	s5 =	simm.s32 $0xFFFFFFFF;
	p2 =	slt.u32 s8, $0xFFFFF086  }
0x1c: {  	p1 =	slt.u32 s9, $0xF7A;
	s5 =	simm.s32 @!p2 $0x0  }
0x1d: {  	s5 =	simm.s32 @p1 $0x1;
	p0 =	seq.s32 s7, s2  }
0x1e: {  	s7 =	smul.u32 @!p0 $0xF7A, s2;
	p2 =	seq.s32 @!p0 s5, $0x0  }
0x1f: {  	s9 =	smul.u32 $0xF7A, s1;
	s8 =	simm.s32 @!p0 $0x1BF5;
	p2 =	por !p2, p0  }
0x20: {  	[sflag:s8] =	ssyncset.s32 @!p0 $0xFFFFF086;
	s6 =	sadd.s32 @!p0 s3, s7;
	s7 =	simm.s32 @!p0 $0x108  }
0x21: {  	s3 =	sadd.s32 s3, s9;
	s6 =	sadd.s32 @!p0 $0x88, s6;
	s7 =	simm.s32 @p2 $0x1082  }
0x22: {  	[simem:s7], [sflag:s8] =	dma.local @!p0 [hbm:s6], $0xF7A  }
0x23: {  	s9 =	sor.u32 $0xD0000000, s2;
	s6 =	simm.s32 $0x108;
	_ =	swait.ge @!p0 [sflag:s8], $0x0  }
0x24: {  	s3 =	sadd.s32 $0x88, s3;
	s6 =	simm.s32 @!p1 $0x1082;
	[sflag:s4] =	ssyncset.s32 $0xFFFFF086  }
0x25: {  	[simem:s6], [sflag:s4] =	dma.local [hbm:s3], $0xF7A  }
0x26: {  	[smem:$0x3F9B] =	sst s1;
	(tag) =	ssettag s2;
	_ =	strace s9  }
0x27: {  	s1 =	sld [smem:$0x3FAB]  }
0x28: {  	s2 =	sld [smem:$0x3FAC]  }
0x29: {  	s4 =	sld [smem:$0x3FAE]  }
0x2a: {  	p0 =	seq.s32 s5, $0x0;
	s5 =	sld [smem:$0x3FAF]  }
0x2b: {  	s6 =	sld [smem:$0x3FB0]  }
0x2c: {  	s7 =	sld [smem:$0x3FB1]  }
0x2d: {  	s3 =	simm.s32 $0x108;
	s8 =	sld [smem:$0x3FB2]  }
0x2e: {  	s3 =	simm.s32 @!p0 $0x1082;
	s9 =	sld [smem:$0x3FB3]  }
0x2f: {  	lr =	sadd.s32 s0, s3;
	s0 =	sld [smem:$0x3FAA]  }
0x30: {  	s3 =	sld [smem:$0x3FAD]  }
0x31: {  	[smem:$0x3FB6] =	sst s10  }
0x32: {  	s10 =	sld [smem:$0x3FB4];
	_ =	sdelay $0x3  }
0x33: {  	p0 =	seq.s32 s10, $0x1;
	s10 =	sld [smem:$0x3FB6];
	_ =	sdelay $0x3  }
0x34: {  	[smem:$0x3FB6] =	sst s10  }
0x35: {  	s10 =	sld [smem:$0x3FB5];
	_ =	sdelay $0x3  }
0x36: {  	p1 =	seq.s32 s10, $0x1;
	s10 =	sld [smem:$0x3FB6];
	_ =	sdelay $0x3  }
0x37: {  	[smem:$0x3FB6] =	sst s10  }
0x38: {  	s10 =	sld [smem:$0x3FB7]  }
0x39: {  	_ = 	snop;
	(pc) =	sbr.ind lr, $3  }
0x3a: {  	_ = 	snop  }
0x3b: {  	_ = 	snop  }
0x3c: {  	p2 =	seq.s32 s10, $0x1;
	s10 =	sld [smem:$0x3FB6]  }
0x3d: {  	_ =	shalt  }
0x3e: {  	_ =	shalt  }
0x3f: {  	_ =	shalt  }
0x40: {  	_ =	shalt  }
0x41: {  	_ =	shalt  }
0x42: {  	_ =	shalt  }
0x43: {  	_ =	shalt  }
0x44: {  	_ =	shalt  }
0x45: {  	_ =	shalt  }
0x46: {  	_ =	shalt  }
0x47: {  	_ =	shalt  }
0x48: {  	_ =	shalt  }
0x49: {  	_ =	shalt  }
0x4a: {  	_ =	shalt  }
0x4b: {  	_ =	shalt  }
0x4c: {  	_ =	shalt  }
0x4d: {  	_ =	shalt  }
0x4e: {  	_ =	shalt  }
0x4f: {  	_ =	shalt  }
0x50: {  	_ =	shalt  }
0x51: {  	_ =	shalt  }
0x52: {  	_ =	shalt  }
0x53: {  	_ =	shalt  }
0x54: {  	_ =	shalt  }
0x55: {  	_ =	shalt  }
0x56: {  	_ =	shalt  }
0x57: {  	_ =	shalt  }
0x58: {  	_ =	shalt  }
0x59: {  	_ =	shalt  }
0x5a: {  	_ =	shalt  }
0x5b: {  	_ =	shalt  }
0x5c: {  	_ =	shalt  }
0x5d: {  	_ =	shalt  }
0x5e: {  	_ =	shalt  }
0x5f: {  	_ =	shalt  }
0x60: {  	_ =	shalt  }
0x61: {  	_ =	shalt  }
0x62: {  	_ =	shalt  }
0x63: {  	_ =	shalt  }
0x64: {  	_ =	shalt  }
0x65: {  	_ =	shalt  }
0x66: {  	_ =	shalt  }
0x67: {  	_ =	shalt  }
0x68: {  	_ =	shalt  }
0x69: {  	_ =	shalt  }
0x6a: {  	_ =	shalt  }
0x6b: {  	_ =	shalt  }
0x6c: {  	_ =	shalt  }
0x6d: {  	_ =	shalt  }
0x6e: {  	_ =	shalt  }
0x6f: {  	_ =	shalt  }
0x70: {  	_ =	shalt  }
0x71: {  	_ =	shalt  }
0x72: {  	_ =	shalt  }
0x73: {  	_ =	shalt  }
0x74: {  	_ =	shalt  }
0x75: {  	_ =	shalt  }
0x76: {  	_ =	shalt  }
0x77: {  	_ =	shalt  }
0x78: {  	_ =	shalt  }
0x79: {  	_ =	shalt  }
0x7a: {  	_ =	shalt  }
0x7b: {  	_ =	shalt  }
0x7c: {  	_ =	shalt  }
0x7d: {  	_ =	shalt  }
0x7e: {  	_ =	shalt  }
0x7f: {  	_ =	shalt  }
0x80: {  	_ =	shalt  }
0x81: {  	_ =	shalt  }
0x82: {  	_ =	shalt  }
0x83: {  	_ =	shalt  }
0x84: {  	_ =	shalt  }
0x85: {  	_ =	shalt  }
0x86: {  	_ =	shalt  }
0x87: {  	_ =	shalt  }
.Lfunc_end0:
.L_simem_size_0:
called_computation.1_lowered:
.L_overlay_start_0:
0x88: {  	s2 =	sld [smem:$0x3FD9]  }
0x89: {  	s3 =	sld [smem:$0x3FFE];
	_ =	sdelay $0x1  }
0x8a: {  	s1 =	srdreg.scid  }
0x8b: {  	s0 =	sand.u32 $0x1, s1  }
0x8c: {  	s17 =	sshll.u32 s0, $0xA;
	s2 =	sadd.s32 s3, s2  }
0x8d: {  	s2 =	sadd.s32 s2, s17  }
0x8e: {  	[smem:$0x3FC2] =	sst s2  }
0x8f: {  	_ = 	snop  }
0x90: {  	s2 =	sld [smem:$0x3FC9]  }
0x91: {  	s18 =	sld [smem:$0x3FD0];
	(tm) =	ssettm $0x1  }
0x92: {  	s4 =	sld [smem:$0x3FFB];
	_ =	sdelay $0x3  }
0x93: {  	_ =	strace s4  }
0x94: {  	s4 =	sld [smem:$0x3FFC];
	_ =	sdelay $0x3  }
0x95: {  	_ =	strace s4  }
0x96: {  	s4 =	sld [smem:$0x3FFD];
	_ =	sdelay $0x3  }
0x97: {  	_ =	strace s4  }
0x98: {  	_ =	strace $0x8FFFFFFF  }
0x99: {  	s19 =	sld [smem:$0x3FDB];
	_ =	sdelay $0x1  }
0x9a: {  	s5 =	simm.s32 $_scs_section_size  }
0x9b: {  	s6 =	simm.s32 $_size__tile_overlayer_lowered;
	s7 =	simm.s32 $_tile_overlayer_lowered  }
0x9c: {  	s22 =	simm.s32 $0x1BFF;
	s21 =	sshll.u32 s7, $0x1;
	s4 =	sadd.s32 s5, s19  }
0x9d: {  	s8 =	simm.s32 $0x0;
	s20 =	sshll.u32 s6, $0x1;
	s6 =	sadd.s32 s21, s4  }
0x9e: {  	[timem:s8], [sflag:s22] =	dma.local [hbm:s6], s20  }
0x9f: {  	_ =	swait.ge [sflag:s22], s20  }
0xa0: {  	s5 =	ssub.s32 $0x0, s20;
	[sflag:s22] =	ssyncset.done $0x0  }
0xa1: {  	[sflag:s22] =	ssyncadd.s32 s5;
	_ =	sdelay $0x1  }
0xa2: {  	s23 =	simm.s32 $0x1B8B  }
0xa3: {  	_ =	swait.ge [sflag:s23], $0x1  }
0xa4: {  	[sflag:s23] =	ssyncset.done $0x0  }
0xa5: {  	s25 =	simm.s32 $0x1B8E;
	s24 =	sld [smem:$0x3FFE];
	[sflag:s23] =	ssyncadd.s32 $0xFFFFFFFF  }
0xa6: {  	s26 =	simm.s32 $execute0_lowered;
	[smem:$0x3FD2] =	sst s25  }
0xa7: {  	s6 =	sshll.u32 s26, $0x1;
	_ =	strace $0x80000049;
	[dreg:$0x1] =	wrdreg $0xFFFFFFFF  }
0xa8: {  	s28 =	simm.s32 $_size_execute0_lowered;
	s4 =	sadd.s32 s4, s6;
	[dreg:$0x0] =	wrdreg $0x0  }
0xa9: {  	s6 =	sshll.u32 s28, $0x1;
	[dreg:$0x2] =	wrdreg s4  }
0xaa: {  	[dreg:$0x3] =	wrdreg s6  }
0xab: {  	[dreg:$0x4] =	wrdreg $0xC0  }
0xac: {  	_ =	task [dreg:s8], $0x5FFFF  }
0xad: {  	[dreg:$0x1] =	wrdreg $0xFFFFFFFF  }
0xae: {  	[dreg:$0x0] =	wrdreg $0x60  }
0xaf: {  	[dreg:$0x2] =	wrdreg s2  }
0xb0: {  	[dreg:$0x3] =	wrdreg s24  }
0xb1: {  	[dreg:$0x4] =	wrdreg s18  }
0xb2: {  	[dreg:$0x5] =	wrdreg $0x9  }
0xb3: {  	_ =	task.clear_ibuf [dreg:s8], $0x6FFFF;
	_ =	strace $0x90000049  }
0xb4: {  	s29 =	simm.s32 $0x9;
	_ =	strace $0x8000004B  }
0xb5: {  	_ =	swait.ge [sflag:s29], $0x1  }
0xb6: {  	[sflag:s29] =	ssyncadd.s32 $0xFFFFFFFF  }
0xb7: {  	_ =	strace $0x9000004B  }
0xb8: {  	_ =	sfence  }
0xb9: {  	s30 =	sld [smem:$0x0];
	_ =	sdelay $0x2  }
0xba: {  	s31 =	sshll.u32 s1, $0xD;
	s1 =	sshrl.u32 s1, $0x2  }
0xbb: {  	s3 =	sand.u32 $0x4000, s31;
	s1 =	sadd.s32 s1, s30  }
0xbc: {  	s0 =	sor.u32 s3, s0;
	s1 =	sshll.u32 s1, $0x11  }
0xbd: {  	s0 =	sor.u32 s1, s0  }
0xbe: {  	s0 =	sadd.s32 $0x8F2B, s0  }
0xbf: {  	[sflag:s0] =	ssyncadd.remote.s32 $0x1  }
0xc0: {  	_ =	sfence.sel $0xFFFF  }
0xc1: {  	[dreg:$0x0] =	wrdreg $0xFFFFFFFF;
	(pc) =	sbr.abs _section_cstart, $3  }
0xc2: {  	[dreg:$0x1] =	wrdreg $0xFFFFFFFF  }
0xc3: {  	_ =	task.clear_ibuf [dreg:s8], $0x2FFFF;
	_ =	strace $0x9FFFFFFF  }
0xc4: {  	(tm) =	ssettm $0x7FFFFFFF  }
0xc5: {  	_ =	shalt  }
tec
execute0_lowered:
.L_overlay_start_1:
0x0: {  	(tag) =	ssettag $0x1  }
0x1: {  	s4 =	rddreg [dreg:$0x0]  }
0x2: {  	s5 =	rddreg [dreg:$0x1]  }
0x3: {  	s6 =	rddreg [dreg:$0x2]  }
0x4: {  	s0 =	rddreg [dreg:$0x3]  }
0x5: {  	s2 =	simm.s32 $0x0;
	s3 =	srdreg.scid;
	s1 =	stileid.u32  }
0x6: {  	s12 =	simm.s32 $0x280;
	s13 =	simm.s32 $0x100;
	s14 =	simm.s32 $0x300  }
0x7: {  	s15 =	simm.s32 $0x180;
	s16 =	simm.s32 $0x380;
	s17 =	simm.s32 $0x2  }
0x8: {  	s18 =	simm.s32 $0x0;
	[smem:$0x7FF] =	sst s2;
	s3 =	sand.u32 $0x1, s3  }
0x9: {  	s7 =	sshll.u32 s1, $0x7;
	_ =	strace $0x8000004A;
	s8 =	sshll.u32 s3, $0x6  }
0xa: {  	s9 =	ssub.s32 $0x2, s3;
	s3 =	sadd.s32 $0x4200, s5;
	s10 =	sor.u32 s8, s7  }
0xb: {  	s11 =	sshrl.u32 s9, $0x1;
	s4 =	sadd.s32 s4, s8;
	s8 =	simm.s32 $0x400  }
0xc: {  	s5 =	sadd.s32 s10, s5;
	s9 =	ssub.s32 s9, s11;
	s4 =	sadd.s32 s7, s4  }
0xd: {  	s6 =	sadd.s32 s6, s10;
	s10 =	simm.s32 $0x80;
	s11 =	simm.s32 $0x200  }
0xe: {  	s5 =	sadd.s32 $0x3A00, s5;
	s7 =	smax.u32 s9, $0x1;
	s9 =	simm.s32 $0x1  }
.LBB2_1:
0xf: {  	[tilespmem:s2], [sflag:$0x1] =	stream.linear.gather [hbm4b:s4+s2], $0x200, $0x38;
	[tilespmem:$0x600] =	vst v63  }
0x10: {  	_ = 	snop  }
0x11: {  	[tilespmem:s8], [sflag:$0x1] =	stream.linear.gather [hbm4b:s5+s2], $0x200, $0x38;
	[tilespmem:$0x600] =	vst v63  }
0x12: {  	_ =	swait.ge [sflag:s9], $0x200  }
0x13: {  	[sflag:s9] =	ssyncset.done $0x0  }
0x14: {  	[sflag:s9] =	ssyncadd.s32 $0xFFFFFE00  }
0x15: {  	_ =	swait.ge [sflag:s9], $0x200  }
0x16: {  	[sflag:s9] =	ssyncset.done $0x0  }
0x17: {  	[sflag:s9] =	ssyncadd.s32 $0xFFFFFE00  }
0x18: {  	[tilespmem:s11], [sflag:$0x1] =	stream.indirect.gather [hbm4b:s3+s10], $0x1, s2, s10, $0xb8;
	[tilespmem:$0x600] =	vst v63  }
0x19: {  	_ = 	snop  }
0x1a: {  	[tilespmem:s12], [sflag:$0x1] =	stream.indirect.gather [hbm4b:s3+s10], $0x1, s10, s10, $0xb8;
	[tilespmem:$0x600] =	vst v63  }
0x1b: {  	_ = 	snop  }
0x1c: {  	[tilespmem:s14], [sflag:$0x1] =	stream.indirect.gather [hbm4b:s3+s10], $0x1, s13, s10, $0xb8;
	[tilespmem:$0x600] =	vst v63  }
0x1d: {  	_ = 	snop  }
0x1e: {  	[tilespmem:s16], [sflag:$0x1] =	stream.indirect.gather [hbm4b:s3+s10], $0x1, s15, s10, $0xb8;
	[tilespmem:$0x600] =	vst v63  }
0x1f: {  	_ =	swait.ge [sflag:s9], $0x80  }
0x20: {  	[sflag:s9] =	ssyncset.done $0x0  }
0x21: {  	[sflag:s9] =	ssyncadd.s32 $0xFFFFFF80  }
0x22: {  	_ =	swait.ge [sflag:s9], $0x80  }
0x23: {  	[sflag:s9] =	ssyncset.done $0x0  }
0x24: {  	[sflag:s9] =	ssyncadd.s32 $0xFFFFFF80  }
0x25: {  	_ =	swait.ge [sflag:s9], $0x80  }
0x26: {  	[sflag:s9] =	ssyncset.done $0x0  }
0x27: {  	[sflag:s9] =	ssyncadd.s32 $0xFFFFFF80  }
0x28: {  	_ =	swait.ge [sflag:s9], $0x80  }
0x29: {  	[sflag:s9] =	ssyncset.done $0x0  }
0x2a: {  	s19 =	simm.s32 $0x0;
	[sflag:s9] =	ssyncadd.s32 $0xFFFFFF80  }
0x2b: {  	s20 =	simm.s32 $0x40;
	v0 =	vld [tilespmem:s19+$0x200]  }
.LBB2_2:
0x2c: {  	p0 =	sne.s32 s20, $0x7C0;
	v1 =	vld [tilespmem:s19+$0x400];
	_ =	sdelay $0x2  }
.Ltmp0:
0x2d: {  	(pc) =	sbr.rel @p0 .LBB2_2-.Ltmp0, $4  }
0x2e: {  	_ = 	snop  }
0x2f: {  	v1 =	vadd.f32 v0, v1  }
0x30: {  	s21 =	sshra.s32 s20, $0x2  }
0x31: {  	s20 =	sadd.s32 $0x40, s20;
	v0 =	vld [tilespmem:s21+$0x200];
	[tilespmem:s19+$0x400] =	vst v1;
	s19 =	smov.u32 s21  }
0x32: {  	v1 =	vld [tilespmem:s19+$0x400];
	_ =	sdelay $0x4  }
0x33: {  	s18 =	sadd.s32 $0x1, s18;
	v0 =	vadd.f32 v0, v1  }
0x34: {  	p0 =	sne.s32 s18, s7  }
.Ltmp1:
0x35: {  	[tilespmem:s19+$0x400] =	vst v0;
	(pc) =	sbr.rel @p0 .LBB2_1-.Ltmp1, $4  }
0x36: {  	[hbm4b:s6+s2] =	stream.linear.scatter [tilespmem:s8], [sflag:$0x2], $0x200, $0x38;
	[tilespmem:$0x600] =	vst v63  }
0x37: {  	_ =	swait.ge [sflag:s17], $0x200  }
0x38: {  	[sflag:s17] =	ssyncset.done $0x0  }
0x39: {  	[sflag:s17] =	ssyncadd.s32 $0xFFFFFE00  }
0x3a: {  	_ =	sfence.sel $0x180000  }
0x3b: {  	[bflag:$0x0] =	sbarrier.arrive $0xFFFF  }
0x3c: {  	p0 =	sne.s32 s1, $0x0;
	_ =	strace $0x9000004A  }
0x3d: {  	s0 =	sadd.s32 @!p0 $0x100000, s0;
	[bflag:$0x2] =	sbarrier.arrive $0xFFFF  }
0x3e: {  	[sflag:s0] =	ssyncadd.tile.s32 @!p0 $0x1;
	_ =	shalt  }
.Lfunc_end2:
_tile_overlayer_lowered:
.L_overlay_start_2:
0x3f: {  	(tag) =	ssettag $0x2  }
0x40: {  	s0 =	rddreg [dreg:$0x0];
	s2 =	stileid.u32  }
0x41: {  	s1 =	rddreg [dreg:$0x1];
	p0 =	sne.s32 s2, $0x0  }
0x42: {  	s3 =	rddreg [dreg:$0x2];
	[bflag:$0x3] =	sbarrier.arrive $0xFFFF;
	s2 =	simm.s32 @!p0 $0x1C02  }
0x43: {  	[timem:s3], [sflag:s2] =	dma.local @!p0 [hbm:s0], s1  }
0x44: {  	s0 =	simm.s32 @!p0 $0x2  }
0x45: {  	_ =	swait.ge @!p0 [sflag:s0], s1  }
0x46: {  	s1 =	ssub.s32 @!p0 $0x0, s1;
	[sflag:s0] =	ssyncset.done @!p0 $0x0  }
0x47: {  	[sflag:s0] =	ssyncadd.s32 @!p0 s1  }
0x48: {  	[bflag:$0x3] =	sbarrier.arrive $0xFFFF  }
0x49: {  	_ =	shalt  }

</sc_bundles>
